<compile_context>
chip_gen: v7x
topology: tpu7x:2x2x1
jax: 0.10.2.dev20260603
libtpu: 0.0.44.dev20260713+nightly
codegen_flags: <defaults>
</compile_context>

<pallas_src>
import functools

import jax
import jax.numpy as jnp
from jax import lax
from jax.experimental import pallas as pl
from jax.experimental.pallas import tpu as pltpu
from jax.experimental.pallas import tpu_sc as plsc

B, H, W, D = 2, 128, 128, 128
BI, BJ = 8, 8
HALO = 5
WY, WX = BI + 2 * HALO, BJ + 2 * HALO
NTI, NTJ = H // BI, W // BJ
NTILES = B * NTI * NTJ
NC, NS = 2, 16
NW = NC * NS
TPW = NTILES // NW
WROW = WX * D
WSIZE = WY * WROW
FROW = BJ * D * 3
OROW = BJ * D
KV = D // 16
NVEC = BI * BJ * KV
YLO_MAX = H - WY


def _axis(p, lo_f, lo_s, hi_s, wm1):
    t = p.astype(jnp.int32)
    tf = t.astype(jnp.float32)
    d = jnp.minimum(tf + 1.0 - p, 1.0)
    u = tf - lo_f
    u1 = u + 1.0
    c0 = jnp.minimum(jnp.maximum(u, 0.0), wm1).astype(jnp.int32)
    c1 = jnp.minimum(jnp.maximum(u1, 0.0), wm1).astype(jnp.int32)
    bad = (u < lo_s) | (u1 > hi_s)
    return d, c0, c1, bad, tf


def _zaxis(p):
    t = p.astype(jnp.int32)
    tf = t.astype(jnp.float32)
    d = jnp.minimum(tf + 1.0 - p, 1.0)
    c0 = jnp.minimum(jnp.maximum(tf, 0.0), 127.0).astype(jnp.int32)
    c1 = jnp.minimum(jnp.maximum(tf + 1.0, 0.0), 127.0).astype(jnp.int32)
    return d, c0, c1, tf


def _gclamp(tf):
    c0 = jnp.minimum(jnp.maximum(tf, 0.0), 127.0).astype(jnp.int32)
    c1 = jnp.minimum(jnp.maximum(tf + 1.0, 0.0), 127.0).astype(jnp.int32)
    return c0, c1


def _body(I3, I2, F3, out3, win, flt, outt, fb_idx, fb_land,
          sem_in, sem_out, sem_fb):
    wid = lax.axis_index("s") * NC + lax.axis_index("c")
    iota = lax.iota(jnp.int32, 16)
    iota3 = iota * 3
    iota_f = iota.astype(jnp.float32)

    @pl.loop(0, TPW)
    def _tile(t):
        tile = wid * TPW + t
        b = tile // (NTI * NTJ)
        r = tile % (NTI * NTJ)
        i0 = (r // NTJ) * BI
        j0 = (r % NTJ) * BJ
        ylo = jnp.where(i0 == 0, 0, jnp.where(i0 == H - BI, YLO_MAX, i0 - HALO))
        xlo = jnp.where(j0 == 0, 0, jnp.where(j0 == W - BJ, YLO_MAX, j0 - HALO))

        cps = []
        for y in range(WY):
            src = I3.at[b, pl.ds(((ylo + y) * W + xlo) * D, WROW)]
            cps.append(pltpu.async_copy(src, win.at[pl.ds(y * WROW, WROW)], sem_in))
        for i in range(BI):
            src = F3.at[b, pl.ds(((i0 + i) * W + j0) * D * 3, FROW)]
            cps.append(pltpu.async_copy(src, flt.at[pl.ds(i * FROW, FROW)], sem_in))
        for c in cps:
            c.wait()

        ylo_f = ylo.astype(jnp.float32)
        xlo_f = xlo.astype(jnp.float32)
        y_lo_s = jnp.where(ylo > 0, 0.0, -jnp.inf)
        y_hi_s = jnp.where(ylo < YLO_MAX, float(WY - 1), jnp.inf)
        x_lo_s = jnp.where(xlo > 0, 0.0, -jnp.inf)
        x_hi_s = jnp.where(xlo < YLO_MAX, float(WX - 1), jnp.inf)
        bbase = b * (H * W * D)

        @pl.loop(0, NVEC)
        def _vec(v):
            i = v // (BJ * KV)
            rem = v % (BJ * KV)
            j = rem // KV
            k0 = (rem % KV) * 16
            fbase = ((i * BJ + j) * D + k0) * 3
            fy = plsc.load_gather(flt, [iota3 + fbase])
            fx = plsc.load_gather(flt, [iota3 + (fbase + 1)])
            fz = plsc.load_gather(flt, [iota3 + (fbase + 2)])
            yy = fy + (i0 + i).astype(jnp.float32)
            xx = fx + (j0 + j).astype(jnp.float32)
            zz = (fz + iota_f) + k0.astype(jnp.float32)

            dy, ly0, ly1, bady, tyf = _axis(yy, ylo_f, y_lo_s, y_hi_s, float(WY - 1))
            dx, lx0, lx1, badx, txf = _axis(xx, xlo_f, x_lo_s, x_hi_s, float(WX - 1))
            dz, z0, z1, _ = _zaxis(zz)

            sy0 = ly0 * WROW
            sy1 = ly1 * WROW
            sx0 = lx0 * D
            sx1 = lx1 * D
            c00 = sy0 + sx0
            c01 = sy0 + sx1
            c10 = sy1 + sx0
            c11 = sy1 + sx1
            ez = 1.0 - dz
            g = lambda idx: plsc.load_gather(win, [idx])
            v00 = g(c00 + z0) * dz + g(c00 + z1) * ez
            v01 = g(c01 + z0) * dz + g(c01 + z1) * ez
            v10 = g(c10 + z0) * dz + g(c10 + z1) * ez
            v11 = g(c11 + z0) * dz + g(c11 + z1) * ez
            ey = 1.0 - dy
            ex = 1.0 - dx
            res = ((v00 * dx + v01 * ex) * dy + (v10 * dx + v11 * ex) * ey)
            obase = (i * BJ + j) * D + k0
            outt[pl.ds(obase, 16)] = res

            @pl.when(jnp.any(bady | badx))
            def _fallback():
                gy0, gy1 = _gclamp(tyf)
                gx0, gx1 = _gclamp(txf)
                ry0 = gy0 * (W * D)
                ry1 = gy1 * (W * D)
                rx0 = gx0 * D
                rx1 = gx1 * D
                zb0 = z0 + bbase
                zb1 = z1 + bbase
                q = [ry0 + rx0 + zb0, ry0 + rx0 + zb1,
                     ry0 + rx1 + zb0, ry0 + rx1 + zb1,
                     ry1 + rx0 + zb0, ry1 + rx0 + zb1,
                     ry1 + rx1 + zb0, ry1 + rx1 + zb1]
                offs = []
                for c in range(8):
                    fb_idx[pl.ds(c * 16, 16)] = q[c] >> 7
                    offs.append(q[c] & 127)
                pltpu.async_copy(I2.at[fb_idx], fb_land, sem_fb).wait()
                vals = [plsc.load_gather(fb_land, [c * 16 + iota, offs[c]])
                        for c in range(8)]
                w00 = (vals[0] * dz + vals[1] * ez)
                w01 = (vals[2] * dz + vals[3] * ez)
                w10 = (vals[4] * dz + vals[5] * ez)
                w11 = (vals[6] * dz + vals[7] * ez)
                res2 = ((w00 * dx + w01 * ex) * dy + (w10 * dx + w11 * ex) * ey)
                outt[pl.ds(obase, 16)] = res2

        ocps = []
        for i in range(BI):
            dst = out3.at[b, pl.ds(((i0 + i) * W + j0) * D, OROW)]
            ocps.append(pltpu.async_copy(outt.at[pl.ds(i * OROW, OROW)], dst, sem_out))
        for c in ocps:
            c.wait()


@jax.jit
def _warp(I3, I2, F3):
    mesh = plsc.VectorSubcoreMesh(core_axis_name="c", subcore_axis_name="s",
                                  num_cores=NC, num_subcores=NS)
    return pl.kernel(
        _body,
        out_type=jax.ShapeDtypeStruct((B, H * W * D), jnp.float32),
        mesh=mesh,
        compiler_params=pltpu.CompilerParams(needs_layout_passes=False),
        scratch_types=[
            pltpu.VMEM((WSIZE,), jnp.float32),
            pltpu.VMEM((BI * FROW,), jnp.float32),
            pltpu.VMEM((BI * OROW,), jnp.float32),
            pltpu.VMEM((128,), jnp.int32),
            pltpu.VMEM((128, 128), jnp.float32),
            pltpu.SemaphoreType.DMA,
            pltpu.SemaphoreType.DMA,
            pltpu.SemaphoreType.DMA,
        ],
    )(I3, I2, F3)


def kernel(I, flow):
    I3 = I.reshape(B, H * W * D)
    I2 = I.reshape(B * H * W * D // 128, 128)
    F3 = flow.reshape(B, H * W * D * 3)
    out = _warp(I3, I2, F3)
    return out.reshape(B, H, W, D, 1)

# --- scband reference (transcript-rebuilt; emitter-appended) ---
"""Pipeline reference for scband-dense3-dspatial-transformer-8014408974511 (READ-ONLY COPY).

The authoritative reference and input builder live on the scoring server;
editing this copy changes nothing except your own understanding.
"""

import jax, jax.numpy as jnp
import numpy as np


def setup_inputs(seed: int = 0) -> dict:
    key = jax.random.key(seed)
    k1, k2 = jax.random.split(key)
    I = jax.random.normal(k1, (2, 128, 128, 128, 1), dtype=jnp.float32)
    flow = jax.random.normal(k2, (2, 128, 128, 128, 3), dtype=jnp.float32)
    return {"I": I, "flow": flow}


def _interpolate(im, x, y, z):
    num_batch, height, width, depth, channels = im.shape
    out_h, out_w, out_d = x.shape[1], x.shape[2], x.shape[3]
    x = x.reshape(-1)
    y = y.reshape(-1)
    z = z.reshape(-1)
    max_x = width - 1
    max_y = height - 1
    max_z = depth - 1
    x0 = jnp.floor(x).astype(jnp.int32)
    x1 = x0 + 1
    y0 = jnp.floor(y).astype(jnp.int32)
    y1 = y0 + 1
    z0 = jnp.floor(z).astype(jnp.int32)
    z1 = z0 + 1
    x0c = jnp.clip(x0, 0, max_x)
    x1c = jnp.clip(x1, 0, max_x)
    y0c = jnp.clip(y0, 0, max_y)
    y1c = jnp.clip(y1, 0, max_y)
    z0c = jnp.clip(z0, 0, max_z)
    z1c = jnp.clip(z1, 0, max_z)
    dim3 = depth
    dim2 = depth * width
    dim1 = depth * width * height
    base = jnp.repeat(jnp.arange(num_batch, dtype=jnp.int32) * dim1, out_h * out_w * out_d)
    base_y0 = base + y0c * dim2
    base_y1 = base + y1c * dim2
    idx_a = base_y0 + x0c * dim3 + z0c
    idx_b = base_y1 + x0c * dim3 + z0c
    idx_c = base_y0 + x1c * dim3 + z0c
    idx_d = base_y1 + x1c * dim3 + z0c
    idx_e = base_y0 + x0c * dim3 + z1c
    idx_f = base_y1 + x0c * dim3 + z1c
    idx_g = base_y0 + x1c * dim3 + z1c
    idx_h = base_y1 + x1c * dim3 + z1c
    im_flat = im.reshape(-1, channels).astype(jnp.float32)
    Ia = jnp.take(im_flat, idx_a, axis=0)
    Ib = jnp.take(im_flat, idx_b, axis=0)
    Ic = jnp.take(im_flat, idx_c, axis=0)
    Id = jnp.take(im_flat, idx_d, axis=0)
    Ie = jnp.take(im_flat, idx_e, axis=0)
    If = jnp.take(im_flat, idx_f, axis=0)
    Ig = jnp.take(im_flat, idx_g, axis=0)
    Ih = jnp.take(im_flat, idx_h, axis=0)
    x1_f = x1.astype(jnp.float32)
    y1_f = y1.astype(jnp.float32)
    z1_f = z1.astype(jnp.float32)
    dx = x1_f - x
    dy = y1_f - y
    dz = z1_f - z
    wa = (dz * dx * dy)[:, None]
    wb = (dz * dx * (1 - dy))[:, None]
    wc = (dz * (1 - dx) * dy)[:, None]
    wd = (dz * (1 - dx) * (1 - dy))[:, None]
    we = ((1 - dz) * dx * dy)[:, None]
    wf = ((1 - dz) * dx * (1 - dy))[:, None]
    wg = ((1 - dz) * (1 - dx) * dy)[:, None]
    wh = ((1 - dz) * (1 - dx) * (1 - dy))[:, None]
    output = (wa * Ia + wb * Ib + wc * Ic + wd * Id + we * Ie + wf * If + wg * Ig + wh * Ih)
    return output.reshape(num_batch, out_h, out_w, out_d, channels)


def reference(I, flow):
    # call(inputs) -> _transform(I, flow[...,1], flow[...,0], flow[...,2])
    dx = flow[:, :, :, :, 1]
    dy = flow[:, :, :, :, 0]
    dz = flow[:, :, :, :, 2]
    b, h, w, d = dx.shape
    x_mesh = jnp.broadcast_to(jnp.arange(w, dtype=jnp.float32)[None, :, None], (h, w, d))
    y_mesh = jnp.broadcast_to(jnp.arange(h, dtype=jnp.float32)[:, None, None], (h, w, d))
    z_mesh = jnp.broadcast_to(jnp.arange(d, dtype=jnp.float32)[None, None, :], (h, w, d))
    x_new = dx + x_mesh[None]
    y_new = dy + y_mesh[None]
    z_new = dz + z_mesh[None]
    return _interpolate(I, x_new, y_new, z_new)

if __name__ == "__main__":
    import jax
    _d = setup_inputs()
    print(jax.jit(kernel)(*tuple(_d.values())))

</pallas_src>

<mosaic_0001>
#map = affine_map<(d0, d1) -> (0, 0)>
module attributes {stable_mosaic.version = 14 : i64} {
  func.func @_body(%arg0: i32, %arg1: i32, %arg2: memref<2x2097152xf32, #tpu.memory_space<hbm>>, %arg3: memref<32768x128xf32, #tpu.memory_space<hbm>>, %arg4: memref<2x6291456xf32, #tpu.memory_space<hbm>>, %arg5: memref<2x2097152xf32, #tpu.memory_space<hbm>>, %arg6: memref<41472xf32, #tpu.memory_space<vmem>>, %arg7: memref<24576xf32, #tpu.memory_space<vmem>>, %arg8: memref<8192xf32, #tpu.memory_space<vmem>>, %arg9: memref<128xi32, #tpu.memory_space<vmem>>, %arg10: memref<128x128xf32, #tpu.memory_space<vmem>>, %arg11: memref<!tpu.dma_semaphore, #tpu.memory_space<semaphore_mem>>, %arg12: memref<!tpu.dma_semaphore, #tpu.memory_space<semaphore_mem>>, %arg13: memref<!tpu.dma_semaphore, #tpu.memory_space<semaphore_mem>>) attributes {dimension_semantics = [#tpu.dimension_semantics<core_parallel>, #tpu.dimension_semantics<subcore_parallel>], iteration_bounds = array<i64: 2, 16>, scalar_prefetch = 0 : i64, scratch_operands = 8 : i64, tpu.core_type = #tpu.core_type<sc_vector_subcore>, window_params = [{transform_indices = #map}, {transform_indices = #map}, {transform_indices = #map}, {transform_indices = #map}]} {
    %mul3A = arith.constant 2 : i32
    %mul3A_0 = arith.muli %arg1, %mul3A : i32
    %add3A = arith.addi %mul3A_0, %arg0 : i32
    %iota3A = tpu.iota {dimensions = array<i32: 0>} : vector<16xi32>
    %mul3A_1 = arith.constant 3 : i32
    %mul3A_2 = vector.broadcast %mul3A_1 : i32 to vector<16xi32>
    %mul3A_3 = arith.muli %iota3A, %mul3A_2 : vector<16xi32>
    %convert_element_type3A = arith.sitofp %iota3A : vector<16xi32> to vector<16xf32>
    %scan3A = arith.constant 0 : i32
    %scan3A_4 = arith.constant 16 : i32
    %scan3A_5 = arith.addi %scan3A, %scan3A_4 : i32
    %scan3A_6 = arith.constant 1 : i32
    scf.for %scan3A_8 = %scan3A to %scan3A_5 step %scan3A_6  : i32 {
      %mul3A_9 = arith.constant 1 : i32
      %mul3A_10 = arith.muli %scan3A_8, %mul3A_9 : i32
      %add3A_11 = arith.constant 0 : i32
      %add3A_12 = arith.addi %add3A_11, %mul3A_10 : i32
      %mul3A_13 = arith.constant 16 : i32
      %mul3A_14 = arith.muli %add3A, %mul3A_13 : i32
      %add3A_15 = arith.addi %mul3A_14, %add3A_12 : i32
      %jit3A = arith.constant 256 : i32
      %div3A = arith.divsi %add3A_15, %jit3A : i32
      %sign3A = arith.constant 0 : i32
      %sign3A_16 = arith.cmpi sgt, %add3A_15, %sign3A : i32
      %sign3A_17 = arith.extui %sign3A_16 : i1 to i32
      %sign3A_18 = arith.constant 0 : i32
      %sign3A_19 = arith.cmpi slt, %add3A_15, %sign3A_18 : i32
      %sign3A_20 = arith.extui %sign3A_19 : i1 to i32
      %sign3A_21 = arith.subi %sign3A_17, %sign3A_20 : i32
      %sign3A_22 = arith.constant 0 : i32
      %sign3A_23 = arith.cmpi sgt, %jit3A, %sign3A_22 : i32
      %sign3A_24 = arith.extui %sign3A_23 : i1 to i32
      %sign3A_25 = arith.constant 0 : i32
      %sign3A_26 = arith.cmpi slt, %jit3A, %sign3A_25 : i32
      %sign3A_27 = arith.extui %sign3A_26 : i1 to i32
      %sign3A_28 = arith.subi %sign3A_24, %sign3A_27 : i32
      %ne3A = arith.cmpi ne, %sign3A_21, %sign3A_28 : i32
      %rem3A = arith.remsi %add3A_15, %jit3A : i32
      %ne3A_29 = arith.constant 0 : i32
      %ne3A_30 = arith.cmpi ne, %rem3A, %ne3A_29 : i32
      %and3A = arith.andi %ne3A, %ne3A_30 : i1
      %sub3A = arith.constant 1 : i32
      %sub3A_31 = arith.subi %div3A, %sub3A : i32
      %select_n3A = arith.select %and3A, %sub3A_31, %div3A : i32
      %jit3A_32 = arith.constant 256 : i32
      %eq3A = arith.constant 0 : i32
      %eq3A_33 = arith.cmpi eq, %jit3A_32, %eq3A : i32
      %jit3A_34 = arith.constant 1 : i32
      %select_n3A_35 = arith.select %eq3A_33, %jit3A_34, %jit3A_32 : i32
      %rem3A_36 = arith.remsi %add3A_15, %select_n3A_35 : i32
      %ne3A_37 = arith.constant 0 : i32
      %ne3A_38 = arith.cmpi ne, %rem3A_36, %ne3A_37 : i32
      %lt3A = arith.constant 0 : i32
      %lt3A_39 = arith.cmpi slt, %rem3A_36, %lt3A : i32
      %lt3A_40 = arith.constant 0 : i32
      %lt3A_41 = arith.cmpi slt, %select_n3A_35, %lt3A_40 : i32
      %ne3A_42 = arith.xori %lt3A_39, %lt3A_41 : i1
      %and3A_43 = arith.andi %ne3A_42, %ne3A_38 : i1
      %add3A_44 = arith.addi %rem3A_36, %select_n3A_35 : i32
      %select_n3A_45 = arith.select %and3A_43, %add3A_44, %rem3A_36 : i32
      %jit3A_46 = arith.constant 16 : i32
      %div3A_47 = arith.divsi %select_n3A_45, %jit3A_46 : i32
      %sign3A_48 = arith.constant 0 : i32
      %sign3A_49 = arith.cmpi sgt, %select_n3A_45, %sign3A_48 : i32
      %sign3A_50 = arith.extui %sign3A_49 : i1 to i32
      %sign3A_51 = arith.constant 0 : i32
      %sign3A_52 = arith.cmpi slt, %select_n3A_45, %sign3A_51 : i32
      %sign3A_53 = arith.extui %sign3A_52 : i1 to i32
      %sign3A_54 = arith.subi %sign3A_50, %sign3A_53 : i32
      %sign3A_55 = arith.constant 0 : i32
      %sign3A_56 = arith.cmpi sgt, %jit3A_46, %sign3A_55 : i32
      %sign3A_57 = arith.extui %sign3A_56 : i1 to i32
      %sign3A_58 = arith.constant 0 : i32
      %sign3A_59 = arith.cmpi slt, %jit3A_46, %sign3A_58 : i32
      %sign3A_60 = arith.extui %sign3A_59 : i1 to i32
      %sign3A_61 = arith.subi %sign3A_57, %sign3A_60 : i32
      %ne3A_62 = arith.cmpi ne, %sign3A_54, %sign3A_61 : i32
      %rem3A_63 = arith.remsi %select_n3A_45, %jit3A_46 : i32
      %ne3A_64 = arith.constant 0 : i32
      %ne3A_65 = arith.cmpi ne, %rem3A_63, %ne3A_64 : i32
      %and3A_66 = arith.andi %ne3A_62, %ne3A_65 : i1
      %sub3A_67 = arith.constant 1 : i32
      %sub3A_68 = arith.subi %div3A_47, %sub3A_67 : i32
      %select_n3A_69 = arith.select %and3A_66, %sub3A_68, %div3A_47 : i32
      %mul3A_70 = arith.constant 8 : i32
      %mul3A_71 = arith.muli %select_n3A_69, %mul3A_70 : i32
      %jit3A_72 = arith.constant 16 : i32
      %eq3A_73 = arith.constant 0 : i32
      %eq3A_74 = arith.cmpi eq, %jit3A_72, %eq3A_73 : i32
      %jit3A_75 = arith.constant 1 : i32
      %select_n3A_76 = arith.select %eq3A_74, %jit3A_75, %jit3A_72 : i32
      %rem3A_77 = arith.remsi %select_n3A_45, %select_n3A_76 : i32
      %ne3A_78 = arith.constant 0 : i32
      %ne3A_79 = arith.cmpi ne, %rem3A_77, %ne3A_78 : i32
      %lt3A_80 = arith.constant 0 : i32
      %lt3A_81 = arith.cmpi slt, %rem3A_77, %lt3A_80 : i32
      %lt3A_82 = arith.constant 0 : i32
      %lt3A_83 = arith.cmpi slt, %select_n3A_76, %lt3A_82 : i32
      %ne3A_84 = arith.xori %lt3A_81, %lt3A_83 : i1
      %and3A_85 = arith.andi %ne3A_84, %ne3A_79 : i1
      %add3A_86 = arith.addi %rem3A_77, %select_n3A_76 : i32
      %select_n3A_87 = arith.select %and3A_85, %add3A_86, %rem3A_77 : i32
      %mul3A_88 = arith.constant 8 : i32
      %mul3A_89 = arith.muli %select_n3A_87, %mul3A_88 : i32
      %eq3A_90 = arith.constant 0 : i32
      %eq3A_91 = arith.cmpi eq, %mul3A_71, %eq3A_90 : i32
      %eq3A_92 = arith.constant 120 : i32
      %eq3A_93 = arith.cmpi eq, %mul3A_71, %eq3A_92 : i32
      %sub3A_94 = arith.constant 5 : i32
      %sub3A_95 = arith.subi %mul3A_71, %sub3A_94 : i32
      %jit3A_96 = arith.constant 110 : i32
      %select_n3A_97 = arith.select %eq3A_93, %jit3A_96, %sub3A_95 : i32
      %jit3A_98 = arith.constant 0 : i32
      %select_n3A_99 = arith.select %eq3A_91, %jit3A_98, %select_n3A_97 : i32
      %eq3A_100 = arith.constant 0 : i32
      %eq3A_101 = arith.cmpi eq, %mul3A_89, %eq3A_100 : i32
      %eq3A_102 = arith.constant 120 : i32
      %eq3A_103 = arith.cmpi eq, %mul3A_89, %eq3A_102 : i32
      %sub3A_104 = arith.constant 5 : i32
      %sub3A_105 = arith.subi %mul3A_89, %sub3A_104 : i32
      %jit3A_106 = arith.constant 110 : i32
      %select_n3A_107 = arith.select %eq3A_103, %jit3A_106, %sub3A_105 : i32
      %jit3A_108 = arith.constant 0 : i32
      %select_n3A_109 = arith.select %eq3A_101, %jit3A_108, %select_n3A_107 : i32
      %add3A_110 = arith.constant 0 : i32
      %add3A_111 = arith.addi %select_n3A_99, %add3A_110 : i32
      %mul3A_112 = arith.constant 128 : i32
      %mul3A_113 = arith.muli %add3A_111, %mul3A_112 : i32
      %add3A_114 = arith.addi %mul3A_113, %select_n3A_109 : i32
      %mul3A_115 = arith.constant 128 : i32
      %mul3A_116 = arith.muli %add3A_114, %mul3A_115 : i32
      %dma_start3A = arith.constant 0 : i32
      %dma_start3A_117 = tpu.memref_slice %arg6[%dma_start3A] : memref<41472xf32, #tpu.memory_space<vmem>> -> memref<2304xf32, #tpu.memory_space<vmem>>
      %dma_start3A_118 = tpu.memref_slice %arg2[%select_n3A, %mul3A_116] : memref<2x2097152xf32, #tpu.memory_space<hbm>> -> memref<1x2304xf32, #tpu.memory_space<hbm>>
      %dma_start3A_119 = tpu.memref_squeeze %dma_start3A_118 : memref<1x2304xf32, #tpu.memory_space<hbm>> -> memref<2304xf32, #tpu.memory_space<hbm>>
      %dma_start3A_120 = arith.constant 0 : i32
      %dma_start3A_121 = tpu.memref_slice %arg6[%dma_start3A_120] : memref<41472xf32, #tpu.memory_space<vmem>> -> memref<2304xf32, #tpu.memory_space<vmem>>
      %dma_start3A_122 = tpu.memref_slice %arg2[%select_n3A, %mul3A_116] : memref<2x2097152xf32, #tpu.memory_space<hbm>> -> memref<1x2304xf32, #tpu.memory_space<hbm>>
      %dma_start3A_123 = tpu.memref_squeeze %dma_start3A_122 : memref<1x2304xf32, #tpu.memory_space<hbm>> -> memref<2304xf32, #tpu.memory_space<hbm>>
      tpu.enqueue_dma source(%dma_start3A_123 : memref<2304xf32, #tpu.memory_space<hbm>>) target(%dma_start3A_121 : memref<2304xf32, #tpu.memory_space<vmem>>) target_semaphore(%arg11 : memref<!tpu.dma_semaphore, #tpu.memory_space<semaphore_mem>>)
      %add3A_124 = arith.constant 1 : i32
      %add3A_125 = arith.addi %select_n3A_99, %add3A_124 : i32
      %mul3A_126 = arith.constant 128 : i32
      %mul3A_127 = arith.muli %add3A_125, %mul3A_126 : i32
      %add3A_128 = arith.addi %mul3A_127, %select_n3A_109 : i32
      %mul3A_129 = arith.constant 128 : i32
      %mul3A_130 = arith.muli %add3A_128, %mul3A_129 : i32
      %dma_start3A_131 = arith.constant 2304 : i32
      %dma_start3A_132 = tpu.memref_slice %arg6[%dma_start3A_131] : memref<41472xf32, #tpu.memory_space<vmem>> -> memref<2304xf32, #tpu.memory_space<vmem>>
      %dma_start3A_133 = tpu.memref_slice %arg2[%select_n3A, %mul3A_130] : memref<2x2097152xf32, #tpu.memory_space<hbm>> -> memref<1x2304xf32, #tpu.memory_space<hbm>>
      %dma_start3A_134 = tpu.memref_squeeze %dma_start3A_133 : memref<1x2304xf32, #tpu.memory_space<hbm>> -> memref<2304xf32, #tpu.memory_space<hbm>>
      %dma_start3A_135 = arith.constant 2304 : i32
      %dma_start3A_136 = tpu.memref_slice %arg6[%dma_start3A_135] : memref<41472xf32, #tpu.memory_space<vmem>> -> memref<2304xf32, #tpu.memory_space<vmem>>
      %dma_start3A_137 = tpu.memref_slice %arg2[%select_n3A, %mul3A_130] : memref<2x2097152xf32, #tpu.memory_space<hbm>> -> memref<1x2304xf32, #tpu.memory_space<hbm>>
      %dma_start3A_138 = tpu.memref_squeeze %dma_start3A_137 : memref<1x2304xf32, #tpu.memory_space<hbm>> -> memref<2304xf32, #tpu.memory_space<hbm>>
      tpu.enqueue_dma source(%dma_start3A_138 : memref<2304xf32, #tpu.memory_space<hbm>>) target(%dma_start3A_136 : memref<2304xf32, #tpu.memory_space<vmem>>) target_semaphore(%arg11 : memref<!tpu.dma_semaphore, #tpu.memory_space<semaphore_mem>>)
      %add3A_139 = arith.constant 2 : i32
      %add3A_140 = arith.addi %select_n3A_99, %add3A_139 : i32
      %mul3A_141 = arith.constant 128 : i32
      %mul3A_142 = arith.muli %add3A_140, %mul3A_141 : i32
      %add3A_143 = arith.addi %mul3A_142, %select_n3A_109 : i32
      %mul3A_144 = arith.constant 128 : i32
      %mul3A_145 = arith.muli %add3A_143, %mul3A_144 : i32
      %dma_start3A_146 = arith.constant 4608 : i32
      %dma_start3A_147 = tpu.memref_slice %arg6[%dma_start3A_146] : memref<41472xf32, #tpu.memory_space<vmem>> -> memref<2304xf32, #tpu.memory_space<vmem>>
      %dma_start3A_148 = tpu.memref_slice %arg2[%select_n3A, %mul3A_145] : memref<2x2097152xf32, #tpu.memory_space<hbm>> -> memref<1x2304xf32, #tpu.memory_space<hbm>>
      %dma_start3A_149 = tpu.memref_squeeze %dma_start3A_148 : memref<1x2304xf32, #tpu.memory_space<hbm>> -> memref<2304xf32, #tpu.memory_space<hbm>>
      %dma_start3A_150 = arith.constant 4608 : i32
      %dma_start3A_151 = tpu.memref_slice %arg6[%dma_start3A_150] : memref<41472xf32, #tpu.memory_space<vmem>> -> memref<2304xf32, #tpu.memory_space<vmem>>
      %dma_start3A_152 = tpu.memref_slice %arg2[%select_n3A, %mul3A_145] : memref<2x2097152xf32, #tpu.memory_space<hbm>> -> memref<1x2304xf32, #tpu.memory_space<hbm>>
      %dma_start3A_153 = tpu.memref_squeeze %dma_start3A_152 : memref<1x2304xf32, #tpu.memory_space<hbm>> -> memref<2304xf32, #tpu.memory_space<hbm>>
      tpu.enqueue_dma source(%dma_start3A_153 : memref<2304xf32, #tpu.memory_space<hbm>>) target(%dma_start3A_151 : memref<2304xf32, #tpu.memory_space<vmem>>) target_semaphore(%arg11 : memref<!tpu.dma_semaphore, #tpu.memory_space<semaphore_mem>>)
      %add3A_154 = arith.constant 3 : i32
      %add3A_155 = arith.addi %select_n3A_99, %add3A_154 : i32
      %mul3A_156 = arith.constant 128 : i32
      %mul3A_157 = arith.muli %add3A_155, %mul3A_156 : i32
      %add3A_158 = arith.addi %mul3A_157, %select_n3A_109 : i32
      %mul3A_159 = arith.constant 128 : i32
      %mul3A_160 = arith.muli %add3A_158, %mul3A_159 : i32
      %dma_start3A_161 = arith.constant 6912 : i32
      %dma_start3A_162 = tpu.memref_slice %arg6[%dma_start3A_161] : memref<41472xf32, #tpu.memory_space<vmem>> -> memref<2304xf32, #tpu.memory_space<vmem>>
      %dma_start3A_163 = tpu.memref_slice %arg2[%select_n3A, %mul3A_160] : memref<2x2097152xf32, #tpu.memory_space<hbm>> -> memref<1x2304xf32, #tpu.memory_space<hbm>>
      %dma_start3A_164 = tpu.memref_squeeze %dma_start3A_163 : memref<1x2304xf32, #tpu.memory_space<hbm>> -> memref<2304xf32, #tpu.memory_space<hbm>>
      %dma_start3A_165 = arith.constant 6912 : i32
      %dma_start3A_166 = tpu.memref_slice %arg6[%dma_start3A_165] : memref<41472xf32, #tpu.memory_space<vmem>> -> memref<2304xf32, #tpu.memory_space<vmem>>
      %dma_start3A_167 = tpu.memref_slice %arg2[%select_n3A, %mul3A_160] : memref<2x2097152xf32, #tpu.memory_space<hbm>> -> memref<1x2304xf32, #tpu.memory_space<hbm>>
      %dma_start3A_168 = tpu.memref_squeeze %dma_start3A_167 : memref<1x2304xf32, #tpu.memory_space<hbm>> -> memref<2304xf32, #tpu.memory_space<hbm>>
      tpu.enqueue_dma source(%dma_start3A_168 : memref<2304xf32, #tpu.memory_space<hbm>>) target(%dma_start3A_166 : memref<2304xf32, #tpu.memory_space<vmem>>) target_semaphore(%arg11 : memref<!tpu.dma_semaphore, #tpu.memory_space<semaphore_mem>>)
      %add3A_169 = arith.constant 4 : i32
      %add3A_170 = arith.addi %select_n3A_99, %add3A_169 : i32
      %mul3A_171 = arith.constant 128 : i32
      %mul3A_172 = arith.muli %add3A_170, %mul3A_171 : i32
      %add3A_173 = arith.addi %mul3A_172, %select_n3A_109 : i32
      %mul3A_174 = arith.constant 128 : i32
      %mul3A_175 = arith.muli %add3A_173, %mul3A_174 : i32
      %dma_start3A_176 = arith.constant 9216 : i32
      %dma_start3A_177 = tpu.memref_slice %arg6[%dma_start3A_176] : memref<41472xf32, #tpu.memory_space<vmem>> -> memref<2304xf32, #tpu.memory_space<vmem>>
      %dma_start3A_178 = tpu.memref_slice %arg2[%select_n3A, %mul3A_175] : memref<2x2097152xf32, #tpu.memory_space<hbm>> -> memref<1x2304xf32, #tpu.memory_space<hbm>>
      %dma_start3A_179 = tpu.memref_squeeze %dma_start3A_178 : memref<1x2304xf32, #tpu.memory_space<hbm>> -> memref<2304xf32, #tpu.memory_space<hbm>>
      %dma_start3A_180 = arith.constant 9216 : i32
      %dma_start3A_181 = tpu.memref_slice %arg6[%dma_start3A_180] : memref<41472xf32, #tpu.memory_space<vmem>> -> memref<2304xf32, #tpu.memory_space<vmem>>
      %dma_start3A_182 = tpu.memref_slice %arg2[%select_n3A, %mul3A_175] : memref<2x2097152xf32, #tpu.memory_space<hbm>> -> memref<1x2304xf32, #tpu.memory_space<hbm>>
      %dma_start3A_183 = tpu.memref_squeeze %dma_start3A_182 : memref<1x2304xf32, #tpu.memory_space<hbm>> -> memref<2304xf32, #tpu.memory_space<hbm>>
      tpu.enqueue_dma source(%dma_start3A_183 : memref<2304xf32, #tpu.memory_space<hbm>>) target(%dma_start3A_181 : memref<2304xf32, #tpu.memory_space<vmem>>) target_semaphore(%arg11 : memref<!tpu.dma_semaphore, #tpu.memory_space<semaphore_mem>>)
      %add3A_184 = arith.constant 5 : i32
      %add3A_185 = arith.addi %select_n3A_99, %add3A_184 : i32
      %mul3A_186 = arith.constant 128 : i32
      %mul3A_187 = arith.muli %add3A_185, %mul3A_186 : i32
      %add3A_188 = arith.addi %mul3A_187, %select_n3A_109 : i32
      %mul3A_189 = arith.constant 128 : i32
      %mul3A_190 = arith.muli %add3A_188, %mul3A_189 : i32
      %dma_start3A_191 = arith.constant 11520 : i32
      %dma_start3A_192 = tpu.memref_slice %arg6[%dma_start3A_191] : memref<41472xf32, #tpu.memory_space<vmem>> -> memref<2304xf32, #tpu.memory_space<vmem>>
      %dma_start3A_193 = tpu.memref_slice %arg2[%select_n3A, %mul3A_190] : memref<2x2097152xf32, #tpu.memory_space<hbm>> -> memref<1x2304xf32, #tpu.memory_space<hbm>>
      %dma_start3A_194 = tpu.memref_squeeze %dma_start3A_193 : memref<1x2304xf32, #tpu.memory_space<hbm>> -> memref<2304xf32, #tpu.memory_space<hbm>>
      %dma_start3A_195 = arith.constant 11520 : i32
      %dma_start3A_196 = tpu.memref_slice %arg6[%dma_start3A_195] : memref<41472xf32, #tpu.memory_space<vmem>> -> memref<2304xf32, #tpu.memory_space<vmem>>
      %dma_start3A_197 = tpu.memref_slice %arg2[%select_n3A, %mul3A_190] : memref<2x2097152xf32, #tpu.memory_space<hbm>> -> memref<1x2304xf32, #tpu.memory_space<hbm>>
      %dma_start3A_198 = tpu.memref_squeeze %dma_start3A_197 : memref<1x2304xf32, #tpu.memory_space<hbm>> -> memref<2304xf32, #tpu.memory_space<hbm>>
      tpu.enqueue_dma source(%dma_start3A_198 : memref<2304xf32, #tpu.memory_space<hbm>>) target(%dma_start3A_196 : memref<2304xf32, #tpu.memory_space<vmem>>) target_semaphore(%arg11 : memref<!tpu.dma_semaphore, #tpu.memory_space<semaphore_mem>>)
      %add3A_199 = arith.constant 6 : i32
      %add3A_200 = arith.addi %select_n3A_99, %add3A_199 : i32
      %mul3A_201 = arith.constant 128 : i32
      %mul3A_202 = arith.muli %add3A_200, %mul3A_201 : i32
      %add3A_203 = arith.addi %mul3A_202, %select_n3A_109 : i32
      %mul3A_204 = arith.constant 128 : i32
      %mul3A_205 = arith.muli %add3A_203, %mul3A_204 : i32
      %dma_start3A_206 = arith.constant 13824 : i32
      %dma_start3A_207 = tpu.memref_slice %arg6[%dma_start3A_206] : memref<41472xf32, #tpu.memory_space<vmem>> -> memref<2304xf32, #tpu.memory_space<vmem>>
      %dma_start3A_208 = tpu.memref_slice %arg2[%select_n3A, %mul3A_205] : memref<2x2097152xf32, #tpu.memory_space<hbm>> -> memref<1x2304xf32, #tpu.memory_space<hbm>>
      %dma_start3A_209 = tpu.memref_squeeze %dma_start3A_208 : memref<1x2304xf32, #tpu.memory_space<hbm>> -> memref<2304xf32, #tpu.memory_space<hbm>>
      %dma_start3A_210 = arith.constant 13824 : i32
      %dma_start3A_211 = tpu.memref_slice %arg6[%dma_start3A_210] : memref<41472xf32, #tpu.memory_space<vmem>> -> memref<2304xf32, #tpu.memory_space<vmem>>
      %dma_start3A_212 = tpu.memref_slice %arg2[%select_n3A, %mul3A_205] : memref<2x2097152xf32, #tpu.memory_space<hbm>> -> memref<1x2304xf32, #tpu.memory_space<hbm>>
      %dma_start3A_213 = tpu.memref_squeeze %dma_start3A_212 : memref<1x2304xf32, #tpu.memory_space<hbm>> -> memref<2304xf32, #tpu.memory_space<hbm>>
      tpu.enqueue_dma source(%dma_start3A_213 : memref<2304xf32, #tpu.memory_space<hbm>>) target(%dma_start3A_211 : memref<2304xf32, #tpu.memory_space<vmem>>) target_semaphore(%arg11 : memref<!tpu.dma_semaphore, #tpu.memory_space<semaphore_mem>>)
      %add3A_214 = arith.constant 7 : i32
      %add3A_215 = arith.addi %select_n3A_99, %add3A_214 : i32
      %mul3A_216 = arith.constant 128 : i32
      %mul3A_217 = arith.muli %add3A_215, %mul3A_216 : i32
      %add3A_218 = arith.addi %mul3A_217, %select_n3A_109 : i32
      %mul3A_219 = arith.constant 128 : i32
      %mul3A_220 = arith.muli %add3A_218, %mul3A_219 : i32
      %dma_start3A_221 = arith.constant 16128 : i32
      %dma_start3A_222 = tpu.memref_slice %arg6[%dma_start3A_221] : memref<41472xf32, #tpu.memory_space<vmem>> -> memref<2304xf32, #tpu.memory_space<vmem>>
      %dma_start3A_223 = tpu.memref_slice %arg2[%select_n3A, %mul3A_220] : memref<2x2097152xf32, #tpu.memory_space<hbm>> -> memref<1x2304xf32, #tpu.memory_space<hbm>>
      %dma_start3A_224 = tpu.memref_squeeze %dma_start3A_223 : memref<1x2304xf32, #tpu.memory_space<hbm>> -> memref<2304xf32, #tpu.memory_space<hbm>>
      %dma_start3A_225 = arith.constant 16128 : i32
      %dma_start3A_226 = tpu.memref_slice %arg6[%dma_start3A_225] : memref<41472xf32, #tpu.memory_space<vmem>> -> memref<2304xf32, #tpu.memory_space<vmem>>
      %dma_start3A_227 = tpu.memref_slice %arg2[%select_n3A, %mul3A_220] : memref<2x2097152xf32, #tpu.memory_space<hbm>> -> memref<1x2304xf32, #tpu.memory_space<hbm>>
      %dma_start3A_228 = tpu.memref_squeeze %dma_start3A_227 : memref<1x2304xf32, #tpu.memory_space<hbm>> -> memref<2304xf32, #tpu.memory_space<hbm>>
      tpu.enqueue_dma source(%dma_start3A_228 : memref<2304xf32, #tpu.memory_space<hbm>>) target(%dma_start3A_226 : memref<2304xf32, #tpu.memory_space<vmem>>) target_semaphore(%arg11 : memref<!tpu.dma_semaphore, #tpu.memory_space<semaphore_mem>>)
      %add3A_229 = arith.constant 8 : i32
      %add3A_230 = arith.addi %select_n3A_99, %add3A_229 : i32
      %mul3A_231 = arith.constant 128 : i32
      %mul3A_232 = arith.muli %add3A_230, %mul3A_231 : i32
      %add3A_233 = arith.addi %mul3A_232, %select_n3A_109 : i32
      %mul3A_234 = arith.constant 128 : i32
      %mul3A_235 = arith.muli %add3A_233, %mul3A_234 : i32
      %dma_start3A_236 = arith.constant 18432 : i32
      %dma_start3A_237 = tpu.memref_slice %arg6[%dma_start3A_236] : memref<41472xf32, #tpu.memory_space<vmem>> -> memref<2304xf32, #tpu.memory_space<vmem>>
      %dma_start3A_238 = tpu.memref_slice %arg2[%select_n3A, %mul3A_235] : memref<2x2097152xf32, #tpu.memory_space<hbm>> -> memref<1x2304xf32, #tpu.memory_space<hbm>>
      %dma_start3A_239 = tpu.memref_squeeze %dma_start3A_238 : memref<1x2304xf32, #tpu.memory_space<hbm>> -> memref<2304xf32, #tpu.memory_space<hbm>>
      %dma_start3A_240 = arith.constant 18432 : i32
      %dma_start3A_241 = tpu.memref_slice %arg6[%dma_start3A_240] : memref<41472xf32, #tpu.memory_space<vmem>> -> memref<2304xf32, #tpu.memory_space<vmem>>
      %dma_start3A_242 = tpu.memref_slice %arg2[%select_n3A, %mul3A_235] : memref<2x2097152xf32, #tpu.memory_space<hbm>> -> memref<1x2304xf32, #tpu.memory_space<hbm>>
      %dma_start3A_243 = tpu.memref_squeeze %dma_start3A_242 : memref<1x2304xf32, #tpu.memory_space<hbm>> -> memref<2304xf32, #tpu.memory_space<hbm>>
      tpu.enqueue_dma source(%dma_start3A_243 : memref<2304xf32, #tpu.memory_space<hbm>>) target(%dma_start3A_241 : memref<2304xf32, #tpu.memory_space<vmem>>) target_semaphore(%arg11 : memref<!tpu.dma_semaphore, #tpu.memory_space<semaphore_mem>>)
      %add3A_244 = arith.constant 9 : i32
      %add3A_245 = arith.addi %select_n3A_99, %add3A_244 : i32
      %mul3A_246 = arith.constant 128 : i32
      %mul3A_247 = arith.muli %add3A_245, %mul3A_246 : i32
      %add3A_248 = arith.addi %mul3A_247, %select_n3A_109 : i32
      %mul3A_249 = arith.constant 128 : i32
      %mul3A_250 = arith.muli %add3A_248, %mul3A_249 : i32
      %dma_start3A_251 = arith.constant 20736 : i32
      %dma_start3A_252 = tpu.memref_slice %arg6[%dma_start3A_251] : memref<41472xf32, #tpu.memory_space<vmem>> -> memref<2304xf32, #tpu.memory_space<vmem>>
      %dma_start3A_253 = tpu.memref_slice %arg2[%select_n3A, %mul3A_250] : memref<2x2097152xf32, #tpu.memory_space<hbm>> -> memref<1x2304xf32, #tpu.memory_space<hbm>>
      %dma_start3A_254 = tpu.memref_squeeze %dma_start3A_253 : memref<1x2304xf32, #tpu.memory_space<hbm>> -> memref<2304xf32, #tpu.memory_space<hbm>>
      %dma_start3A_255 = arith.constant 20736 : i32
      %dma_start3A_256 = tpu.memref_slice %arg6[%dma_start3A_255] : memref<41472xf32, #tpu.memory_space<vmem>> -> memref<2304xf32, #tpu.memory_space<vmem>>
      %dma_start3A_257 = tpu.memref_slice %arg2[%select_n3A, %mul3A_250] : memref<2x2097152xf32, #tpu.memory_space<hbm>> -> memref<1x2304xf32, #tpu.memory_space<hbm>>
      %dma_start3A_258 = tpu.memref_squeeze %dma_start3A_257 : memref<1x2304xf32, #tpu.memory_space<hbm>> -> memref<2304xf32, #tpu.memory_space<hbm>>
      tpu.enqueue_dma source(%dma_start3A_258 : memref<2304xf32, #tpu.memory_space<hbm>>) target(%dma_start3A_256 : memref<2304xf32, #tpu.memory_space<vmem>>) target_semaphore(%arg11 : memref<!tpu.dma_semaphore, #tpu.memory_space<semaphore_mem>>)
      %add3A_259 = arith.constant 10 : i32
      %add3A_260 = arith.addi %select_n3A_99, %add3A_259 : i32
      %mul3A_261 = arith.constant 128 : i32
      %mul3A_262 = arith.muli %add3A_260, %mul3A_261 : i32
      %add3A_263 = arith.addi %mul3A_262, %select_n3A_109 : i32
      %mul3A_264 = arith.constant 128 : i32
      %mul3A_265 = arith.muli %add3A_263, %mul3A_264 : i32
      %dma_start3A_266 = arith.constant 23040 : i32
      %dma_start3A_267 = tpu.memref_slice %arg6[%dma_start3A_266] : memref<41472xf32, #tpu.memory_space<vmem>> -> memref<2304xf32, #tpu.memory_space<vmem>>
      %dma_start3A_268 = tpu.memref_slice %arg2[%select_n3A, %mul3A_265] : memref<2x2097152xf32, #tpu.memory_space<hbm>> -> memref<1x2304xf32, #tpu.memory_space<hbm>>
      %dma_start3A_269 = tpu.memref_squeeze %dma_start3A_268 : memref<1x2304xf32, #tpu.memory_space<hbm>> -> memref<2304xf32, #tpu.memory_space<hbm>>
      %dma_start3A_270 = arith.constant 23040 : i32
      %dma_start3A_271 = tpu.memref_slice %arg6[%dma_start3A_270] : memref<41472xf32, #tpu.memory_space<vmem>> -> memref<2304xf32, #tpu.memory_space<vmem>>
      %dma_start3A_272 = tpu.memref_slice %arg2[%select_n3A, %mul3A_265] : memref<2x2097152xf32, #tpu.memory_space<hbm>> -> memref<1x2304xf32, #tpu.memory_space<hbm>>
      %dma_start3A_273 = tpu.memref_squeeze %dma_start3A_272 : memref<1x2304xf32, #tpu.memory_space<hbm>> -> memref<2304xf32, #tpu.memory_space<hbm>>
      tpu.enqueue_dma source(%dma_start3A_273 : memref<2304xf32, #tpu.memory_space<hbm>>) target(%dma_start3A_271 : memref<2304xf32, #tpu.memory_space<vmem>>) target_semaphore(%arg11 : memref<!tpu.dma_semaphore, #tpu.memory_space<semaphore_mem>>)
      %add3A_274 = arith.constant 11 : i32
      %add3A_275 = arith.addi %select_n3A_99, %add3A_274 : i32
      %mul3A_276 = arith.constant 128 : i32
      %mul3A_277 = arith.muli %add3A_275, %mul3A_276 : i32
      %add3A_278 = arith.addi %mul3A_277, %select_n3A_109 : i32
      %mul3A_279 = arith.constant 128 : i32
      %mul3A_280 = arith.muli %add3A_278, %mul3A_279 : i32
      %dma_start3A_281 = arith.constant 25344 : i32
      %dma_start3A_282 = tpu.memref_slice %arg6[%dma_start3A_281] : memref<41472xf32, #tpu.memory_space<vmem>> -> memref<2304xf32, #tpu.memory_space<vmem>>
      %dma_start3A_283 = tpu.memref_slice %arg2[%select_n3A, %mul3A_280] : memref<2x2097152xf32, #tpu.memory_space<hbm>> -> memref<1x2304xf32, #tpu.memory_space<hbm>>
      %dma_start3A_284 = tpu.memref_squeeze %dma_start3A_283 : memref<1x2304xf32, #tpu.memory_space<hbm>> -> memref<2304xf32, #tpu.memory_space<hbm>>
      %dma_start3A_285 = arith.constant 25344 : i32
      %dma_start3A_286 = tpu.memref_slice %arg6[%dma_start3A_285] : memref<41472xf32, #tpu.memory_space<vmem>> -> memref<2304xf32, #tpu.memory_space<vmem>>
      %dma_start3A_287 = tpu.memref_slice %arg2[%select_n3A, %mul3A_280] : memref<2x2097152xf32, #tpu.memory_space<hbm>> -> memref<1x2304xf32, #tpu.memory_space<hbm>>
      %dma_start3A_288 = tpu.memref_squeeze %dma_start3A_287 : memref<1x2304xf32, #tpu.memory_space<hbm>> -> memref<2304xf32, #tpu.memory_space<hbm>>
      tpu.enqueue_dma source(%dma_start3A_288 : memref<2304xf32, #tpu.memory_space<hbm>>) target(%dma_start3A_286 : memref<2304xf32, #tpu.memory_space<vmem>>) target_semaphore(%arg11 : memref<!tpu.dma_semaphore, #tpu.memory_space<semaphore_mem>>)
      %add3A_289 = arith.constant 12 : i32
      %add3A_290 = arith.addi %select_n3A_99, %add3A_289 : i32
      %mul3A_291 = arith.constant 128 : i32
      %mul3A_292 = arith.muli %add3A_290, %mul3A_291 : i32
      %add3A_293 = arith.addi %mul3A_292, %select_n3A_109 : i32
      %mul3A_294 = arith.constant 128 : i32
      %mul3A_295 = arith.muli %add3A_293, %mul3A_294 : i32
      %dma_start3A_296 = arith.constant 27648 : i32
      %dma_start3A_297 = tpu.memref_slice %arg6[%dma_start3A_296] : memref<41472xf32, #tpu.memory_space<vmem>> -> memref<2304xf32, #tpu.memory_space<vmem>>
      %dma_start3A_298 = tpu.memref_slice %arg2[%select_n3A, %mul3A_295] : memref<2x2097152xf32, #tpu.memory_space<hbm>> -> memref<1x2304xf32, #tpu.memory_space<hbm>>
      %dma_start3A_299 = tpu.memref_squeeze %dma_start3A_298 : memref<1x2304xf32, #tpu.memory_space<hbm>> -> memref<2304xf32, #tpu.memory_space<hbm>>
      %dma_start3A_300 = arith.constant 27648 : i32
      %dma_start3A_301 = tpu.memref_slice %arg6[%dma_start3A_300] : memref<41472xf32, #tpu.memory_space<vmem>> -> memref<2304xf32, #tpu.memory_space<vmem>>
      %dma_start3A_302 = tpu.memref_slice %arg2[%select_n3A, %mul3A_295] : memref<2x2097152xf32, #tpu.memory_space<hbm>> -> memref<1x2304xf32, #tpu.memory_space<hbm>>
      %dma_start3A_303 = tpu.memref_squeeze %dma_start3A_302 : memref<1x2304xf32, #tpu.memory_space<hbm>> -> memref<2304xf32, #tpu.memory_space<hbm>>
      tpu.enqueue_dma source(%dma_start3A_303 : memref<2304xf32, #tpu.memory_space<hbm>>) target(%dma_start3A_301 : memref<2304xf32, #tpu.memory_space<vmem>>) target_semaphore(%arg11 : memref<!tpu.dma_semaphore, #tpu.memory_space<semaphore_mem>>)
      %add3A_304 = arith.constant 13 : i32
      %add3A_305 = arith.addi %select_n3A_99, %add3A_304 : i32
      %mul3A_306 = arith.constant 128 : i32
      %mul3A_307 = arith.muli %add3A_305, %mul3A_306 : i32
      %add3A_308 = arith.addi %mul3A_307, %select_n3A_109 : i32
      %mul3A_309 = arith.constant 128 : i32
      %mul3A_310 = arith.muli %add3A_308, %mul3A_309 : i32
      %dma_start3A_311 = arith.constant 29952 : i32
      %dma_start3A_312 = tpu.memref_slice %arg6[%dma_start3A_311] : memref<41472xf32, #tpu.memory_space<vmem>> -> memref<2304xf32, #tpu.memory_space<vmem>>
      %dma_start3A_313 = tpu.memref_slice %arg2[%select_n3A, %mul3A_310] : memref<2x2097152xf32, #tpu.memory_space<hbm>> -> memref<1x2304xf32, #tpu.memory_space<hbm>>
      %dma_start3A_314 = tpu.memref_squeeze %dma_start3A_313 : memref<1x2304xf32, #tpu.memory_space<hbm>> -> memref<2304xf32, #tpu.memory_space<hbm>>
      %dma_start3A_315 = arith.constant 29952 : i32
      %dma_start3A_316 = tpu.memref_slice %arg6[%dma_start3A_315] : memref<41472xf32, #tpu.memory_space<vmem>> -> memref<2304xf32, #tpu.memory_space<vmem>>
      %dma_start3A_317 = tpu.memref_slice %arg2[%select_n3A, %mul3A_310] : memref<2x2097152xf32, #tpu.memory_space<hbm>> -> memref<1x2304xf32, #tpu.memory_space<hbm>>
      %dma_start3A_318 = tpu.memref_squeeze %dma_start3A_317 : memref<1x2304xf32, #tpu.memory_space<hbm>> -> memref<2304xf32, #tpu.memory_space<hbm>>
      tpu.enqueue_dma source(%dma_start3A_318 : memref<2304xf32, #tpu.memory_space<hbm>>) target(%dma_start3A_316 : memref<2304xf32, #tpu.memory_space<vmem>>) target_semaphore(%arg11 : memref<!tpu.dma_semaphore, #tpu.memory_space<semaphore_mem>>)
      %add3A_319 = arith.constant 14 : i32
      %add3A_320 = arith.addi %select_n3A_99, %add3A_319 : i32
      %mul3A_321 = arith.constant 128 : i32
      %mul3A_322 = arith.muli %add3A_320, %mul3A_321 : i32
      %add3A_323 = arith.addi %mul3A_322, %select_n3A_109 : i32
      %mul3A_324 = arith.constant 128 : i32
      %mul3A_325 = arith.muli %add3A_323, %mul3A_324 : i32
      %dma_start3A_326 = arith.constant 32256 : i32
      %dma_start3A_327 = tpu.memref_slice %arg6[%dma_start3A_326] : memref<41472xf32, #tpu.memory_space<vmem>> -> memref<2304xf32, #tpu.memory_space<vmem>>
      %dma_start3A_328 = tpu.memref_slice %arg2[%select_n3A, %mul3A_325] : memref<2x2097152xf32, #tpu.memory_space<hbm>> -> memref<1x2304xf32, #tpu.memory_space<hbm>>
      %dma_start3A_329 = tpu.memref_squeeze %dma_start3A_328 : memref<1x2304xf32, #tpu.memory_space<hbm>> -> memref<2304xf32, #tpu.memory_space<hbm>>
      %dma_start3A_330 = arith.constant 32256 : i32
      %dma_start3A_331 = tpu.memref_slice %arg6[%dma_start3A_330] : memref<41472xf32, #tpu.memory_space<vmem>> -> memref<2304xf32, #tpu.memory_space<vmem>>
      %dma_start3A_332 = tpu.memref_slice %arg2[%select_n3A, %mul3A_325] : memref<2x2097152xf32, #tpu.memory_space<hbm>> -> memref<1x2304xf32, #tpu.memory_space<hbm>>
      %dma_start3A_333 = tpu.memref_squeeze %dma_start3A_332 : memref<1x2304xf32, #tpu.memory_space<hbm>> -> memref<2304xf32, #tpu.memory_space<hbm>>
      tpu.enqueue_dma source(%dma_start3A_333 : memref<2304xf32, #tpu.memory_space<hbm>>) target(%dma_start3A_331 : memref<2304xf32, #tpu.memory_space<vmem>>) target_semaphore(%arg11 : memref<!tpu.dma_semaphore, #tpu.memory_space<semaphore_mem>>)
      %add3A_334 = arith.constant 15 : i32
      %add3A_335 = arith.addi %select_n3A_99, %add3A_334 : i32
      %mul3A_336 = arith.constant 128 : i32
      %mul3A_337 = arith.muli %add3A_335, %mul3A_336 : i32
      %add3A_338 = arith.addi %mul3A_337, %select_n3A_109 : i32
      %mul3A_339 = arith.constant 128 : i32
      %mul3A_340 = arith.muli %add3A_338, %mul3A_339 : i32
      %dma_start3A_341 = arith.constant 34560 : i32
      %dma_start3A_342 = tpu.memref_slice %arg6[%dma_start3A_341] : memref<41472xf32, #tpu.memory_space<vmem>> -> memref<2304xf32, #tpu.memory_space<vmem>>
      %dma_start3A_343 = tpu.memref_slice %arg2[%select_n3A, %mul3A_340] : memref<2x2097152xf32, #tpu.memory_space<hbm>> -> memref<1x2304xf32, #tpu.memory_space<hbm>>
      %dma_start3A_344 = tpu.memref_squeeze %dma_start3A_343 : memref<1x2304xf32, #tpu.memory_space<hbm>> -> memref<2304xf32, #tpu.memory_space<hbm>>
      %dma_start3A_345 = arith.constant 34560 : i32
      %dma_start3A_346 = tpu.memref_slice %arg6[%dma_start3A_345] : memref<41472xf32, #tpu.memory_space<vmem>> -> memref<2304xf32, #tpu.memory_space<vmem>>
      %dma_start3A_347 = tpu.memref_slice %arg2[%select_n3A, %mul3A_340] : memref<2x2097152xf32, #tpu.memory_space<hbm>> -> memref<1x2304xf32, #tpu.memory_space<hbm>>
      %dma_start3A_348 = tpu.memref_squeeze %dma_start3A_347 : memref<1x2304xf32, #tpu.memory_space<hbm>> -> memref<2304xf32, #tpu.memory_space<hbm>>
      tpu.enqueue_dma source(%dma_start3A_348 : memref<2304xf32, #tpu.memory_space<hbm>>) target(%dma_start3A_346 : memref<2304xf32, #tpu.memory_space<vmem>>) target_semaphore(%arg11 : memref<!tpu.dma_semaphore, #tpu.memory_space<semaphore_mem>>)
      %add3A_349 = arith.constant 16 : i32
      %add3A_350 = arith.addi %select_n3A_99, %add3A_349 : i32
      %mul3A_351 = arith.constant 128 : i32
      %mul3A_352 = arith.muli %add3A_350, %mul3A_351 : i32
      %add3A_353 = arith.addi %mul3A_352, %select_n3A_109 : i32
      %mul3A_354 = arith.constant 128 : i32
      %mul3A_355 = arith.muli %add3A_353, %mul3A_354 : i32
      %dma_start3A_356 = arith.constant 36864 : i32
      %dma_start3A_357 = tpu.memref_slice %arg6[%dma_start3A_356] : memref<41472xf32, #tpu.memory_space<vmem>> -> memref<2304xf32, #tpu.memory_space<vmem>>
      %dma_start3A_358 = tpu.memref_slice %arg2[%select_n3A, %mul3A_355] : memref<2x2097152xf32, #tpu.memory_space<hbm>> -> memref<1x2304xf32, #tpu.memory_space<hbm>>
      %dma_start3A_359 = tpu.memref_squeeze %dma_start3A_358 : memref<1x2304xf32, #tpu.memory_space<hbm>> -> memref<2304xf32, #tpu.memory_space<hbm>>
      %dma_start3A_360 = arith.constant 36864 : i32
      %dma_start3A_361 = tpu.memref_slice %arg6[%dma_start3A_360] : memref<41472xf32, #tpu.memory_space<vmem>> -> memref<2304xf32, #tpu.memory_space<vmem>>
      %dma_start3A_362 = tpu.memref_slice %arg2[%select_n3A, %mul3A_355] : memref<2x2097152xf32, #tpu.memory_space<hbm>> -> memref<1x2304xf32, #tpu.memory_space<hbm>>
      %dma_start3A_363 = tpu.memref_squeeze %dma_start3A_362 : memref<1x2304xf32, #tpu.memory_space<hbm>> -> memref<2304xf32, #tpu.memory_space<hbm>>
      tpu.enqueue_dma source(%dma_start3A_363 : memref<2304xf32, #tpu.memory_space<hbm>>) target(%dma_start3A_361 : memref<2304xf32, #tpu.memory_space<vmem>>) target_semaphore(%arg11 : memref<!tpu.dma_semaphore, #tpu.memory_space<semaphore_mem>>)
      %add3A_364 = arith.constant 17 : i32
      %add3A_365 = arith.addi %select_n3A_99, %add3A_364 : i32
      %mul3A_366 = arith.constant 128 : i32
      %mul3A_367 = arith.muli %add3A_365, %mul3A_366 : i32
      %add3A_368 = arith.addi %mul3A_367, %select_n3A_109 : i32
      %mul3A_369 = arith.constant 128 : i32
      %mul3A_370 = arith.muli %add3A_368, %mul3A_369 : i32
      %dma_start3A_371 = arith.constant 39168 : i32
      %dma_start3A_372 = tpu.memref_slice %arg6[%dma_start3A_371] : memref<41472xf32, #tpu.memory_space<vmem>> -> memref<2304xf32, #tpu.memory_space<vmem>>
      %dma_start3A_373 = tpu.memref_slice %arg2[%select_n3A, %mul3A_370] : memref<2x2097152xf32, #tpu.memory_space<hbm>> -> memref<1x2304xf32, #tpu.memory_space<hbm>>
      %dma_start3A_374 = tpu.memref_squeeze %dma_start3A_373 : memref<1x2304xf32, #tpu.memory_space<hbm>> -> memref<2304xf32, #tpu.memory_space<hbm>>
      %dma_start3A_375 = arith.constant 39168 : i32
      %dma_start3A_376 = tpu.memref_slice %arg6[%dma_start3A_375] : memref<41472xf32, #tpu.memory_space<vmem>> -> memref<2304xf32, #tpu.memory_space<vmem>>
      %dma_start3A_377 = tpu.memref_slice %arg2[%select_n3A, %mul3A_370] : memref<2x2097152xf32, #tpu.memory_space<hbm>> -> memref<1x2304xf32, #tpu.memory_space<hbm>>
      %dma_start3A_378 = tpu.memref_squeeze %dma_start3A_377 : memref<1x2304xf32, #tpu.memory_space<hbm>> -> memref<2304xf32, #tpu.memory_space<hbm>>
      tpu.enqueue_dma source(%dma_start3A_378 : memref<2304xf32, #tpu.memory_space<hbm>>) target(%dma_start3A_376 : memref<2304xf32, #tpu.memory_space<vmem>>) target_semaphore(%arg11 : memref<!tpu.dma_semaphore, #tpu.memory_space<semaphore_mem>>)
      %add3A_379 = arith.constant 0 : i32
      %add3A_380 = arith.addi %mul3A_71, %add3A_379 : i32
      %mul3A_381 = arith.constant 128 : i32
      %mul3A_382 = arith.muli %add3A_380, %mul3A_381 : i32
      %add3A_383 = arith.addi %mul3A_382, %mul3A_89 : i32
      %mul3A_384 = arith.constant 128 : i32
      %mul3A_385 = arith.muli %add3A_383, %mul3A_384 : i32
      %mul3A_386 = arith.constant 3 : i32
      %mul3A_387 = arith.muli %mul3A_385, %mul3A_386 : i32
      %dma_start3A_388 = arith.constant 0 : i32
      %dma_start3A_389 = tpu.memref_slice %arg7[%dma_start3A_388] : memref<24576xf32, #tpu.memory_space<vmem>> -> memref<3072xf32, #tpu.memory_space<vmem>>
      %dma_start3A_390 = tpu.memref_slice %arg4[%select_n3A, %mul3A_387] : memref<2x6291456xf32, #tpu.memory_space<hbm>> -> memref<1x3072xf32, #tpu.memory_space<hbm>>
      %dma_start3A_391 = tpu.memref_squeeze %dma_start3A_390 : memref<1x3072xf32, #tpu.memory_space<hbm>> -> memref<3072xf32, #tpu.memory_space<hbm>>
      %dma_start3A_392 = arith.constant 0 : i32
      %dma_start3A_393 = tpu.memref_slice %arg7[%dma_start3A_392] : memref<24576xf32, #tpu.memory_space<vmem>> -> memref<3072xf32, #tpu.memory_space<vmem>>
      %dma_start3A_394 = tpu.memref_slice %arg4[%select_n3A, %mul3A_387] : memref<2x6291456xf32, #tpu.memory_space<hbm>> -> memref<1x3072xf32, #tpu.memory_space<hbm>>
      %dma_start3A_395 = tpu.memref_squeeze %dma_start3A_394 : memref<1x3072xf32, #tpu.memory_space<hbm>> -> memref<3072xf32, #tpu.memory_space<hbm>>
      tpu.enqueue_dma source(%dma_start3A_395 : memref<3072xf32, #tpu.memory_space<hbm>>) target(%dma_start3A_393 : memref<3072xf32, #tpu.memory_space<vmem>>) target_semaphore(%arg11 : memref<!tpu.dma_semaphore, #tpu.memory_space<semaphore_mem>>)
      %add3A_396 = arith.constant 1 : i32
      %add3A_397 = arith.addi %mul3A_71, %add3A_396 : i32
      %mul3A_398 = arith.constant 128 : i32
      %mul3A_399 = arith.muli %add3A_397, %mul3A_398 : i32
      %add3A_400 = arith.addi %mul3A_399, %mul3A_89 : i32
      %mul3A_401 = arith.constant 128 : i32
      %mul3A_402 = arith.muli %add3A_400, %mul3A_401 : i32
      %mul3A_403 = arith.constant 3 : i32
      %mul3A_404 = arith.muli %mul3A_402, %mul3A_403 : i32
      %dma_start3A_405 = arith.constant 3072 : i32
      %dma_start3A_406 = tpu.memref_slice %arg7[%dma_start3A_405] : memref<24576xf32, #tpu.memory_space<vmem>> -> memref<3072xf32, #tpu.memory_space<vmem>>
      %dma_start3A_407 = tpu.memref_slice %arg4[%select_n3A, %mul3A_404] : memref<2x6291456xf32, #tpu.memory_space<hbm>> -> memref<1x3072xf32, #tpu.memory_space<hbm>>
      %dma_start3A_408 = tpu.memref_squeeze %dma_start3A_407 : memref<1x3072xf32, #tpu.memory_space<hbm>> -> memref<3072xf32, #tpu.memory_space<hbm>>
      %dma_start3A_409 = arith.constant 3072 : i32
      %dma_start3A_410 = tpu.memref_slice %arg7[%dma_start3A_409] : memref<24576xf32, #tpu.memory_space<vmem>> -> memref<3072xf32, #tpu.memory_space<vmem>>
      %dma_start3A_411 = tpu.memref_slice %arg4[%select_n3A, %mul3A_404] : memref<2x6291456xf32, #tpu.memory_space<hbm>> -> memref<1x3072xf32, #tpu.memory_space<hbm>>
      %dma_start3A_412 = tpu.memref_squeeze %dma_start3A_411 : memref<1x3072xf32, #tpu.memory_space<hbm>> -> memref<3072xf32, #tpu.memory_space<hbm>>
      tpu.enqueue_dma source(%dma_start3A_412 : memref<3072xf32, #tpu.memory_space<hbm>>) target(%dma_start3A_410 : memref<3072xf32, #tpu.memory_space<vmem>>) target_semaphore(%arg11 : memref<!tpu.dma_semaphore, #tpu.memory_space<semaphore_mem>>)
      %add3A_413 = arith.constant 2 : i32
      %add3A_414 = arith.addi %mul3A_71, %add3A_413 : i32
      %mul3A_415 = arith.constant 128 : i32
      %mul3A_416 = arith.muli %add3A_414, %mul3A_415 : i32
      %add3A_417 = arith.addi %mul3A_416, %mul3A_89 : i32
      %mul3A_418 = arith.constant 128 : i32
      %mul3A_419 = arith.muli %add3A_417, %mul3A_418 : i32
      %mul3A_420 = arith.constant 3 : i32
      %mul3A_421 = arith.muli %mul3A_419, %mul3A_420 : i32
      %dma_start3A_422 = arith.constant 6144 : i32
      %dma_start3A_423 = tpu.memref_slice %arg7[%dma_start3A_422] : memref<24576xf32, #tpu.memory_space<vmem>> -> memref<3072xf32, #tpu.memory_space<vmem>>
      %dma_start3A_424 = tpu.memref_slice %arg4[%select_n3A, %mul3A_421] : memref<2x6291456xf32, #tpu.memory_space<hbm>> -> memref<1x3072xf32, #tpu.memory_space<hbm>>
      %dma_start3A_425 = tpu.memref_squeeze %dma_start3A_424 : memref<1x3072xf32, #tpu.memory_space<hbm>> -> memref<3072xf32, #tpu.memory_space<hbm>>
      %dma_start3A_426 = arith.constant 6144 : i32
      %dma_start3A_427 = tpu.memref_slice %arg7[%dma_start3A_426] : memref<24576xf32, #tpu.memory_space<vmem>> -> memref<3072xf32, #tpu.memory_space<vmem>>
      %dma_start3A_428 = tpu.memref_slice %arg4[%select_n3A, %mul3A_421] : memref<2x6291456xf32, #tpu.memory_space<hbm>> -> memref<1x3072xf32, #tpu.memory_space<hbm>>
      %dma_start3A_429 = tpu.memref_squeeze %dma_start3A_428 : memref<1x3072xf32, #tpu.memory_space<hbm>> -> memref<3072xf32, #tpu.memory_space<hbm>>
      tpu.enqueue_dma source(%dma_start3A_429 : memref<3072xf32, #tpu.memory_space<hbm>>) target(%dma_start3A_427 : memref<3072xf32, #tpu.memory_space<vmem>>) target_semaphore(%arg11 : memref<!tpu.dma_semaphore, #tpu.memory_space<semaphore_mem>>)
      %add3A_430 = arith.constant 3 : i32
      %add3A_431 = arith.addi %mul3A_71, %add3A_430 : i32
      %mul3A_432 = arith.constant 128 : i32
      %mul3A_433 = arith.muli %add3A_431, %mul3A_432 : i32
      %add3A_434 = arith.addi %mul3A_433, %mul3A_89 : i32
      %mul3A_435 = arith.constant 128 : i32
      %mul3A_436 = arith.muli %add3A_434, %mul3A_435 : i32
      %mul3A_437 = arith.constant 3 : i32
      %mul3A_438 = arith.muli %mul3A_436, %mul3A_437 : i32
      %dma_start3A_439 = arith.constant 9216 : i32
      %dma_start3A_440 = tpu.memref_slice %arg7[%dma_start3A_439] : memref<24576xf32, #tpu.memory_space<vmem>> -> memref<3072xf32, #tpu.memory_space<vmem>>
      %dma_start3A_441 = tpu.memref_slice %arg4[%select_n3A, %mul3A_438] : memref<2x6291456xf32, #tpu.memory_space<hbm>> -> memref<1x3072xf32, #tpu.memory_space<hbm>>
      %dma_start3A_442 = tpu.memref_squeeze %dma_start3A_441 : memref<1x3072xf32, #tpu.memory_space<hbm>> -> memref<3072xf32, #tpu.memory_space<hbm>>
      %dma_start3A_443 = arith.constant 9216 : i32
      %dma_start3A_444 = tpu.memref_slice %arg7[%dma_start3A_443] : memref<24576xf32, #tpu.memory_space<vmem>> -> memref<3072xf32, #tpu.memory_space<vmem>>
      %dma_start3A_445 = tpu.memref_slice %arg4[%select_n3A, %mul3A_438] : memref<2x6291456xf32, #tpu.memory_space<hbm>> -> memref<1x3072xf32, #tpu.memory_space<hbm>>
      %dma_start3A_446 = tpu.memref_squeeze %dma_start3A_445 : memref<1x3072xf32, #tpu.memory_space<hbm>> -> memref<3072xf32, #tpu.memory_space<hbm>>
      tpu.enqueue_dma source(%dma_start3A_446 : memref<3072xf32, #tpu.memory_space<hbm>>) target(%dma_start3A_444 : memref<3072xf32, #tpu.memory_space<vmem>>) target_semaphore(%arg11 : memref<!tpu.dma_semaphore, #tpu.memory_space<semaphore_mem>>)
      %add3A_447 = arith.constant 4 : i32
      %add3A_448 = arith.addi %mul3A_71, %add3A_447 : i32
      %mul3A_449 = arith.constant 128 : i32
      %mul3A_450 = arith.muli %add3A_448, %mul3A_449 : i32
      %add3A_451 = arith.addi %mul3A_450, %mul3A_89 : i32
      %mul3A_452 = arith.constant 128 : i32
      %mul3A_453 = arith.muli %add3A_451, %mul3A_452 : i32
      %mul3A_454 = arith.constant 3 : i32
      %mul3A_455 = arith.muli %mul3A_453, %mul3A_454 : i32
      %dma_start3A_456 = arith.constant 12288 : i32
      %dma_start3A_457 = tpu.memref_slice %arg7[%dma_start3A_456] : memref<24576xf32, #tpu.memory_space<vmem>> -> memref<3072xf32, #tpu.memory_space<vmem>>
      %dma_start3A_458 = tpu.memref_slice %arg4[%select_n3A, %mul3A_455] : memref<2x6291456xf32, #tpu.memory_space<hbm>> -> memref<1x3072xf32, #tpu.memory_space<hbm>>
      %dma_start3A_459 = tpu.memref_squeeze %dma_start3A_458 : memref<1x3072xf32, #tpu.memory_space<hbm>> -> memref<3072xf32, #tpu.memory_space<hbm>>
      %dma_start3A_460 = arith.constant 12288 : i32
      %dma_start3A_461 = tpu.memref_slice %arg7[%dma_start3A_460] : memref<24576xf32, #tpu.memory_space<vmem>> -> memref<3072xf32, #tpu.memory_space<vmem>>
      %dma_start3A_462 = tpu.memref_slice %arg4[%select_n3A, %mul3A_455] : memref<2x6291456xf32, #tpu.memory_space<hbm>> -> memref<1x3072xf32, #tpu.memory_space<hbm>>
      %dma_start3A_463 = tpu.memref_squeeze %dma_start3A_462 : memref<1x3072xf32, #tpu.memory_space<hbm>> -> memref<3072xf32, #tpu.memory_space<hbm>>
      tpu.enqueue_dma source(%dma_start3A_463 : memref<3072xf32, #tpu.memory_space<hbm>>) target(%dma_start3A_461 : memref<3072xf32, #tpu.memory_space<vmem>>) target_semaphore(%arg11 : memref<!tpu.dma_semaphore, #tpu.memory_space<semaphore_mem>>)
      %add3A_464 = arith.constant 5 : i32
      %add3A_465 = arith.addi %mul3A_71, %add3A_464 : i32
      %mul3A_466 = arith.constant 128 : i32
      %mul3A_467 = arith.muli %add3A_465, %mul3A_466 : i32
      %add3A_468 = arith.addi %mul3A_467, %mul3A_89 : i32
      %mul3A_469 = arith.constant 128 : i32
      %mul3A_470 = arith.muli %add3A_468, %mul3A_469 : i32
      %mul3A_471 = arith.constant 3 : i32
      %mul3A_472 = arith.muli %mul3A_470, %mul3A_471 : i32
      %dma_start3A_473 = arith.constant 15360 : i32
      %dma_start3A_474 = tpu.memref_slice %arg7[%dma_start3A_473] : memref<24576xf32, #tpu.memory_space<vmem>> -> memref<3072xf32, #tpu.memory_space<vmem>>
      %dma_start3A_475 = tpu.memref_slice %arg4[%select_n3A, %mul3A_472] : memref<2x6291456xf32, #tpu.memory_space<hbm>> -> memref<1x3072xf32, #tpu.memory_space<hbm>>
      %dma_start3A_476 = tpu.memref_squeeze %dma_start3A_475 : memref<1x3072xf32, #tpu.memory_space<hbm>> -> memref<3072xf32, #tpu.memory_space<hbm>>
      %dma_start3A_477 = arith.constant 15360 : i32
      %dma_start3A_478 = tpu.memref_slice %arg7[%dma_start3A_477] : memref<24576xf32, #tpu.memory_space<vmem>> -> memref<3072xf32, #tpu.memory_space<vmem>>
      %dma_start3A_479 = tpu.memref_slice %arg4[%select_n3A, %mul3A_472] : memref<2x6291456xf32, #tpu.memory_space<hbm>> -> memref<1x3072xf32, #tpu.memory_space<hbm>>
      %dma_start3A_480 = tpu.memref_squeeze %dma_start3A_479 : memref<1x3072xf32, #tpu.memory_space<hbm>> -> memref<3072xf32, #tpu.memory_space<hbm>>
      tpu.enqueue_dma source(%dma_start3A_480 : memref<3072xf32, #tpu.memory_space<hbm>>) target(%dma_start3A_478 : memref<3072xf32, #tpu.memory_space<vmem>>) target_semaphore(%arg11 : memref<!tpu.dma_semaphore, #tpu.memory_space<semaphore_mem>>)
      %add3A_481 = arith.constant 6 : i32
      %add3A_482 = arith.addi %mul3A_71, %add3A_481 : i32
      %mul3A_483 = arith.constant 128 : i32
      %mul3A_484 = arith.muli %add3A_482, %mul3A_483 : i32
      %add3A_485 = arith.addi %mul3A_484, %mul3A_89 : i32
      %mul3A_486 = arith.constant 128 : i32
      %mul3A_487 = arith.muli %add3A_485, %mul3A_486 : i32
      %mul3A_488 = arith.constant 3 : i32
      %mul3A_489 = arith.muli %mul3A_487, %mul3A_488 : i32
      %dma_start3A_490 = arith.constant 18432 : i32
      %dma_start3A_491 = tpu.memref_slice %arg7[%dma_start3A_490] : memref<24576xf32, #tpu.memory_space<vmem>> -> memref<3072xf32, #tpu.memory_space<vmem>>
      %dma_start3A_492 = tpu.memref_slice %arg4[%select_n3A, %mul3A_489] : memref<2x6291456xf32, #tpu.memory_space<hbm>> -> memref<1x3072xf32, #tpu.memory_space<hbm>>
      %dma_start3A_493 = tpu.memref_squeeze %dma_start3A_492 : memref<1x3072xf32, #tpu.memory_space<hbm>> -> memref<3072xf32, #tpu.memory_space<hbm>>
      %dma_start3A_494 = arith.constant 18432 : i32
      %dma_start3A_495 = tpu.memref_slice %arg7[%dma_start3A_494] : memref<24576xf32, #tpu.memory_space<vmem>> -> memref<3072xf32, #tpu.memory_space<vmem>>
      %dma_start3A_496 = tpu.memref_slice %arg4[%select_n3A, %mul3A_489] : memref<2x6291456xf32, #tpu.memory_space<hbm>> -> memref<1x3072xf32, #tpu.memory_space<hbm>>
      %dma_start3A_497 = tpu.memref_squeeze %dma_start3A_496 : memref<1x3072xf32, #tpu.memory_space<hbm>> -> memref<3072xf32, #tpu.memory_space<hbm>>
      tpu.enqueue_dma source(%dma_start3A_497 : memref<3072xf32, #tpu.memory_space<hbm>>) target(%dma_start3A_495 : memref<3072xf32, #tpu.memory_space<vmem>>) target_semaphore(%arg11 : memref<!tpu.dma_semaphore, #tpu.memory_space<semaphore_mem>>)
      %add3A_498 = arith.constant 7 : i32
      %add3A_499 = arith.addi %mul3A_71, %add3A_498 : i32
      %mul3A_500 = arith.constant 128 : i32
      %mul3A_501 = arith.muli %add3A_499, %mul3A_500 : i32
      %add3A_502 = arith.addi %mul3A_501, %mul3A_89 : i32
      %mul3A_503 = arith.constant 128 : i32
      %mul3A_504 = arith.muli %add3A_502, %mul3A_503 : i32
      %mul3A_505 = arith.constant 3 : i32
      %mul3A_506 = arith.muli %mul3A_504, %mul3A_505 : i32
      %dma_start3A_507 = arith.constant 21504 : i32
      %dma_start3A_508 = tpu.memref_slice %arg7[%dma_start3A_507] : memref<24576xf32, #tpu.memory_space<vmem>> -> memref<3072xf32, #tpu.memory_space<vmem>>
      %dma_start3A_509 = tpu.memref_slice %arg4[%select_n3A, %mul3A_506] : memref<2x6291456xf32, #tpu.memory_space<hbm>> -> memref<1x3072xf32, #tpu.memory_space<hbm>>
      %dma_start3A_510 = tpu.memref_squeeze %dma_start3A_509 : memref<1x3072xf32, #tpu.memory_space<hbm>> -> memref<3072xf32, #tpu.memory_space<hbm>>
      %dma_start3A_511 = arith.constant 21504 : i32
      %dma_start3A_512 = tpu.memref_slice %arg7[%dma_start3A_511] : memref<24576xf32, #tpu.memory_space<vmem>> -> memref<3072xf32, #tpu.memory_space<vmem>>
      %dma_start3A_513 = tpu.memref_slice %arg4[%select_n3A, %mul3A_506] : memref<2x6291456xf32, #tpu.memory_space<hbm>> -> memref<1x3072xf32, #tpu.memory_space<hbm>>
      %dma_start3A_514 = tpu.memref_squeeze %dma_start3A_513 : memref<1x3072xf32, #tpu.memory_space<hbm>> -> memref<3072xf32, #tpu.memory_space<hbm>>
      tpu.enqueue_dma source(%dma_start3A_514 : memref<3072xf32, #tpu.memory_space<hbm>>) target(%dma_start3A_512 : memref<3072xf32, #tpu.memory_space<vmem>>) target_semaphore(%arg11 : memref<!tpu.dma_semaphore, #tpu.memory_space<semaphore_mem>>)
      %dma_wait3A = arith.constant 0 : i32
      %dma_wait3A_515 = tpu.memref_slice %arg6[%dma_wait3A] : memref<41472xf32, #tpu.memory_space<vmem>> -> memref<2304xf32, #tpu.memory_space<vmem>>
      %dma_wait3A_516 = tpu.memref_slice %arg2[%select_n3A, %mul3A_116] : memref<2x2097152xf32, #tpu.memory_space<hbm>> -> memref<1x2304xf32, #tpu.memory_space<hbm>>
      %dma_wait3A_517 = tpu.memref_squeeze %dma_wait3A_516 : memref<1x2304xf32, #tpu.memory_space<hbm>> -> memref<2304xf32, #tpu.memory_space<hbm>>
      %dma_wait3A_518 = arith.constant 0 : i32
      %dma_wait3A_519 = tpu.memref_slice %arg6[%dma_wait3A_518] : memref<41472xf32, #tpu.memory_space<vmem>> -> memref<2304xf32, #tpu.memory_space<vmem>>
      %dma_wait3A_520 = tpu.memref_slice %arg2[%select_n3A, %mul3A_116] : memref<2x2097152xf32, #tpu.memory_space<hbm>> -> memref<1x2304xf32, #tpu.memory_space<hbm>>
      %dma_wait3A_521 = tpu.memref_squeeze %dma_wait3A_520 : memref<1x2304xf32, #tpu.memory_space<hbm>> -> memref<2304xf32, #tpu.memory_space<hbm>>
      tpu.wait_dma2 semaphore(%arg11 : memref<!tpu.dma_semaphore, #tpu.memory_space<semaphore_mem>>) src(%dma_wait3A_521 : memref<2304xf32, #tpu.memory_space<hbm>>) dst(%dma_wait3A_519 : memref<2304xf32, #tpu.memory_space<vmem>>)
      %dma_wait3A_522 = arith.constant 2304 : i32
      %dma_wait3A_523 = tpu.memref_slice %arg6[%dma_wait3A_522] : memref<41472xf32, #tpu.memory_space<vmem>> -> memref<2304xf32, #tpu.memory_space<vmem>>
      %dma_wait3A_524 = tpu.memref_slice %arg2[%select_n3A, %mul3A_130] : memref<2x2097152xf32, #tpu.memory_space<hbm>> -> memref<1x2304xf32, #tpu.memory_space<hbm>>
      %dma_wait3A_525 = tpu.memref_squeeze %dma_wait3A_524 : memref<1x2304xf32, #tpu.memory_space<hbm>> -> memref<2304xf32, #tpu.memory_space<hbm>>
      %dma_wait3A_526 = arith.constant 2304 : i32
      %dma_wait3A_527 = tpu.memref_slice %arg6[%dma_wait3A_526] : memref<41472xf32, #tpu.memory_space<vmem>> -> memref<2304xf32, #tpu.memory_space<vmem>>
      %dma_wait3A_528 = tpu.memref_slice %arg2[%select_n3A, %mul3A_130] : memref<2x2097152xf32, #tpu.memory_space<hbm>> -> memref<1x2304xf32, #tpu.memory_space<hbm>>
      %dma_wait3A_529 = tpu.memref_squeeze %dma_wait3A_528 : memref<1x2304xf32, #tpu.memory_space<hbm>> -> memref<2304xf32, #tpu.memory_space<hbm>>
      tpu.wait_dma2 semaphore(%arg11 : memref<!tpu.dma_semaphore, #tpu.memory_space<semaphore_mem>>) src(%dma_wait3A_529 : memref<2304xf32, #tpu.memory_space<hbm>>) dst(%dma_wait3A_527 : memref<2304xf32, #tpu.memory_space<vmem>>)
      %dma_wait3A_530 = arith.constant 4608 : i32
      %dma_wait3A_531 = tpu.memref_slice %arg6[%dma_wait3A_530] : memref<41472xf32, #tpu.memory_space<vmem>> -> memref<2304xf32, #tpu.memory_space<vmem>>
      %dma_wait3A_532 = tpu.memref_slice %arg2[%select_n3A, %mul3A_145] : memref<2x2097152xf32, #tpu.memory_space<hbm>> -> memref<1x2304xf32, #tpu.memory_space<hbm>>
      %dma_wait3A_533 = tpu.memref_squeeze %dma_wait3A_532 : memref<1x2304xf32, #tpu.memory_space<hbm>> -> memref<2304xf32, #tpu.memory_space<hbm>>
      %dma_wait3A_534 = arith.constant 4608 : i32
      %dma_wait3A_535 = tpu.memref_slice %arg6[%dma_wait3A_534] : memref<41472xf32, #tpu.memory_space<vmem>> -> memref<2304xf32, #tpu.memory_space<vmem>>
      %dma_wait3A_536 = tpu.memref_slice %arg2[%select_n3A, %mul3A_145] : memref<2x2097152xf32, #tpu.memory_space<hbm>> -> memref<1x2304xf32, #tpu.memory_space<hbm>>
      %dma_wait3A_537 = tpu.memref_squeeze %dma_wait3A_536 : memref<1x2304xf32, #tpu.memory_space<hbm>> -> memref<2304xf32, #tpu.memory_space<hbm>>
      tpu.wait_dma2 semaphore(%arg11 : memref<!tpu.dma_semaphore, #tpu.memory_space<semaphore_mem>>) src(%dma_wait3A_537 : memref<2304xf32, #tpu.memory_space<hbm>>) dst(%dma_wait3A_535 : memref<2304xf32, #tpu.memory_space<vmem>>)
      %dma_wait3A_538 = arith.constant 6912 : i32
      %dma_wait3A_539 = tpu.memref_slice %arg6[%dma_wait3A_538] : memref<41472xf32, #tpu.memory_space<vmem>> -> memref<2304xf32, #tpu.memory_space<vmem>>
      %dma_wait3A_540 = tpu.memref_slice %arg2[%select_n3A, %mul3A_160] : memref<2x2097152xf32, #tpu.memory_space<hbm>> -> memref<1x2304xf32, #tpu.memory_space<hbm>>
      %dma_wait3A_541 = tpu.memref_squeeze %dma_wait3A_540 : memref<1x2304xf32, #tpu.memory_space<hbm>> -> memref<2304xf32, #tpu.memory_space<hbm>>
      %dma_wait3A_542 = arith.constant 6912 : i32
      %dma_wait3A_543 = tpu.memref_slice %arg6[%dma_wait3A_542] : memref<41472xf32, #tpu.memory_space<vmem>> -> memref<2304xf32, #tpu.memory_space<vmem>>
      %dma_wait3A_544 = tpu.memref_slice %arg2[%select_n3A, %mul3A_160] : memref<2x2097152xf32, #tpu.memory_space<hbm>> -> memref<1x2304xf32, #tpu.memory_space<hbm>>
      %dma_wait3A_545 = tpu.memref_squeeze %dma_wait3A_544 : memref<1x2304xf32, #tpu.memory_space<hbm>> -> memref<2304xf32, #tpu.memory_space<hbm>>
      tpu.wait_dma2 semaphore(%arg11 : memref<!tpu.dma_semaphore, #tpu.memory_space<semaphore_mem>>) src(%dma_wait3A_545 : memref<2304xf32, #tpu.memory_space<hbm>>) dst(%dma_wait3A_543 : memref<2304xf32, #tpu.memory_space<vmem>>)
      %dma_wait3A_546 = arith.constant 9216 : i32
      %dma_wait3A_547 = tpu.memref_slice %arg6[%dma_wait3A_546] : memref<41472xf32, #tpu.memory_space<vmem>> -> memref<2304xf32, #tpu.memory_space<vmem>>
      %dma_wait3A_548 = tpu.memref_slice %arg2[%select_n3A, %mul3A_175] : memref<2x2097152xf32, #tpu.memory_space<hbm>> -> memref<1x2304xf32, #tpu.memory_space<hbm>>
      %dma_wait3A_549 = tpu.memref_squeeze %dma_wait3A_548 : memref<1x2304xf32, #tpu.memory_space<hbm>> -> memref<2304xf32, #tpu.memory_space<hbm>>
      %dma_wait3A_550 = arith.constant 9216 : i32
      %dma_wait3A_551 = tpu.memref_slice %arg6[%dma_wait3A_550] : memref<41472xf32, #tpu.memory_space<vmem>> -> memref<2304xf32, #tpu.memory_space<vmem>>
      %dma_wait3A_552 = tpu.memref_slice %arg2[%select_n3A, %mul3A_175] : memref<2x2097152xf32, #tpu.memory_space<hbm>> -> memref<1x2304xf32, #tpu.memory_space<hbm>>
      %dma_wait3A_553 = tpu.memref_squeeze %dma_wait3A_552 : memref<1x2304xf32, #tpu.memory_space<hbm>> -> memref<2304xf32, #tpu.memory_space<hbm>>
      tpu.wait_dma2 semaphore(%arg11 : memref<!tpu.dma_semaphore, #tpu.memory_space<semaphore_mem>>) src(%dma_wait3A_553 : memref<2304xf32, #tpu.memory_space<hbm>>) dst(%dma_wait3A_551 : memref<2304xf32, #tpu.memory_space<vmem>>)
      %dma_wait3A_554 = arith.constant 11520 : i32
      %dma_wait3A_555 = tpu.memref_slice %arg6[%dma_wait3A_554] : memref<41472xf32, #tpu.memory_space<vmem>> -> memref<2304xf32, #tpu.memory_space<vmem>>
      %dma_wait3A_556 = tpu.memref_slice %arg2[%select_n3A, %mul3A_190] : memref<2x2097152xf32, #tpu.memory_space<hbm>> -> memref<1x2304xf32, #tpu.memory_space<hbm>>
      %dma_wait3A_557 = tpu.memref_squeeze %dma_wait3A_556 : memref<1x2304xf32, #tpu.memory_space<hbm>> -> memref<2304xf32, #tpu.memory_space<hbm>>
      %dma_wait3A_558 = arith.constant 11520 : i32
      %dma_wait3A_559 = tpu.memref_slice %arg6[%dma_wait3A_558] : memref<41472xf32, #tpu.memory_space<vmem>> -> memref<2304xf32, #tpu.memory_space<vmem>>
      %dma_wait3A_560 = tpu.memref_slice %arg2[%select_n3A, %mul3A_190] : memref<2x2097152xf32, #tpu.memory_space<hbm>> -> memref<1x2304xf32, #tpu.memory_space<hbm>>
      %dma_wait3A_561 = tpu.memref_squeeze %dma_wait3A_560 : memref<1x2304xf32, #tpu.memory_space<hbm>> -> memref<2304xf32, #tpu.memory_space<hbm>>
      tpu.wait_dma2 semaphore(%arg11 : memref<!tpu.dma_semaphore, #tpu.memory_space<semaphore_mem>>) src(%dma_wait3A_561 : memref<2304xf32, #tpu.memory_space<hbm>>) dst(%dma_wait3A_559 : memref<2304xf32, #tpu.memory_space<vmem>>)
      %dma_wait3A_562 = arith.constant 13824 : i32
      %dma_wait3A_563 = tpu.memref_slice %arg6[%dma_wait3A_562] : memref<41472xf32, #tpu.memory_space<vmem>> -> memref<2304xf32, #tpu.memory_space<vmem>>
      %dma_wait3A_564 = tpu.memref_slice %arg2[%select_n3A, %mul3A_205] : memref<2x2097152xf32, #tpu.memory_space<hbm>> -> memref<1x2304xf32, #tpu.memory_space<hbm>>
      %dma_wait3A_565 = tpu.memref_squeeze %dma_wait3A_564 : memref<1x2304xf32, #tpu.memory_space<hbm>> -> memref<2304xf32, #tpu.memory_space<hbm>>
      %dma_wait3A_566 = arith.constant 13824 : i32
      %dma_wait3A_567 = tpu.memref_slice %arg6[%dma_wait3A_566] : memref<41472xf32, #tpu.memory_space<vmem>> -> memref<2304xf32, #tpu.memory_space<vmem>>
      %dma_wait3A_568 = tpu.memref_slice %arg2[%select_n3A, %mul3A_205] : memref<2x2097152xf32, #tpu.memory_space<hbm>> -> memref<1x2304xf32, #tpu.memory_space<hbm>>
      %dma_wait3A_569 = tpu.memref_squeeze %dma_wait3A_568 : memref<1x2304xf32, #tpu.memory_space<hbm>> -> memref<2304xf32, #tpu.memory_space<hbm>>
      tpu.wait_dma2 semaphore(%arg11 : memref<!tpu.dma_semaphore, #tpu.memory_space<semaphore_mem>>) src(%dma_wait3A_569 : memref<2304xf32, #tpu.memory_space<hbm>>) dst(%dma_wait3A_567 : memref<2304xf32, #tpu.memory_space<vmem>>)
      %dma_wait3A_570 = arith.constant 16128 : i32
      %dma_wait3A_571 = tpu.memref_slice %arg6[%dma_wait3A_570] : memref<41472xf32, #tpu.memory_space<vmem>> -> memref<2304xf32, #tpu.memory_space<vmem>>
      %dma_wait3A_572 = tpu.memref_slice %arg2[%select_n3A, %mul3A_220] : memref<2x2097152xf32, #tpu.memory_space<hbm>> -> memref<1x2304xf32, #tpu.memory_space<hbm>>
      %dma_wait3A_573 = tpu.memref_squeeze %dma_wait3A_572 : memref<1x2304xf32, #tpu.memory_space<hbm>> -> memref<2304xf32, #tpu.memory_space<hbm>>
      %dma_wait3A_574 = arith.constant 16128 : i32
      %dma_wait3A_575 = tpu.memref_slice %arg6[%dma_wait3A_574] : memref<41472xf32, #tpu.memory_space<vmem>> -> memref<2304xf32, #tpu.memory_space<vmem>>
      %dma_wait3A_576 = tpu.memref_slice %arg2[%select_n3A, %mul3A_220] : memref<2x2097152xf32, #tpu.memory_space<hbm>> -> memref<1x2304xf32, #tpu.memory_space<hbm>>
      %dma_wait3A_577 = tpu.memref_squeeze %dma_wait3A_576 : memref<1x2304xf32, #tpu.memory_space<hbm>> -> memref<2304xf32, #tpu.memory_space<hbm>>
      tpu.wait_dma2 semaphore(%arg11 : memref<!tpu.dma_semaphore, #tpu.memory_space<semaphore_mem>>) src(%dma_wait3A_577 : memref<2304xf32, #tpu.memory_space<hbm>>) dst(%dma_wait3A_575 : memref<2304xf32, #tpu.memory_space<vmem>>)
      %dma_wait3A_578 = arith.constant 18432 : i32
      %dma_wait3A_579 = tpu.memref_slice %arg6[%dma_wait3A_578] : memref<41472xf32, #tpu.memory_space<vmem>> -> memref<2304xf32, #tpu.memory_space<vmem>>
      %dma_wait3A_580 = tpu.memref_slice %arg2[%select_n3A, %mul3A_235] : memref<2x2097152xf32, #tpu.memory_space<hbm>> -> memref<1x2304xf32, #tpu.memory_space<hbm>>
      %dma_wait3A_581 = tpu.memref_squeeze %dma_wait3A_580 : memref<1x2304xf32, #tpu.memory_space<hbm>> -> memref<2304xf32, #tpu.memory_space<hbm>>
      %dma_wait3A_582 = arith.constant 18432 : i32
      %dma_wait3A_583 = tpu.memref_slice %arg6[%dma_wait3A_582] : memref<41472xf32, #tpu.memory_space<vmem>> -> memref<2304xf32, #tpu.memory_space<vmem>>
      %dma_wait3A_584 = tpu.memref_slice %arg2[%select_n3A, %mul3A_235] : memref<2x2097152xf32, #tpu.memory_space<hbm>> -> memref<1x2304xf32, #tpu.memory_space<hbm>>
      %dma_wait3A_585 = tpu.memref_squeeze %dma_wait3A_584 : memref<1x2304xf32, #tpu.memory_space<hbm>> -> memref<2304xf32, #tpu.memory_space<hbm>>
      tpu.wait_dma2 semaphore(%arg11 : memref<!tpu.dma_semaphore, #tpu.memory_space<semaphore_mem>>) src(%dma_wait3A_585 : memref<2304xf32, #tpu.memory_space<hbm>>) dst(%dma_wait3A_583 : memref<2304xf32, #tpu.memory_space<vmem>>)
      %dma_wait3A_586 = arith.constant 20736 : i32
      %dma_wait3A_587 = tpu.memref_slice %arg6[%dma_wait3A_586] : memref<41472xf32, #tpu.memory_space<vmem>> -> memref<2304xf32, #tpu.memory_space<vmem>>
      %dma_wait3A_588 = tpu.memref_slice %arg2[%select_n3A, %mul3A_250] : memref<2x2097152xf32, #tpu.memory_space<hbm>> -> memref<1x2304xf32, #tpu.memory_space<hbm>>
      %dma_wait3A_589 = tpu.memref_squeeze %dma_wait3A_588 : memref<1x2304xf32, #tpu.memory_space<hbm>> -> memref<2304xf32, #tpu.memory_space<hbm>>
      %dma_wait3A_590 = arith.constant 20736 : i32
      %dma_wait3A_591 = tpu.memref_slice %arg6[%dma_wait3A_590] : memref<41472xf32, #tpu.memory_space<vmem>> -> memref<2304xf32, #tpu.memory_space<vmem>>
      %dma_wait3A_592 = tpu.memref_slice %arg2[%select_n3A, %mul3A_250] : memref<2x2097152xf32, #tpu.memory_space<hbm>> -> memref<1x2304xf32, #tpu.memory_space<hbm>>
      %dma_wait3A_593 = tpu.memref_squeeze %dma_wait3A_592 : memref<1x2304xf32, #tpu.memory_space<hbm>> -> memref<2304xf32, #tpu.memory_space<hbm>>
      tpu.wait_dma2 semaphore(%arg11 : memref<!tpu.dma_semaphore, #tpu.memory_space<semaphore_mem>>) src(%dma_wait3A_593 : memref<2304xf32, #tpu.memory_space<hbm>>) dst(%dma_wait3A_591 : memref<2304xf32, #tpu.memory_space<vmem>>)
      %dma_wait3A_594 = arith.constant 23040 : i32
      %dma_wait3A_595 = tpu.memref_slice %arg6[%dma_wait3A_594] : memref<41472xf32, #tpu.memory_space<vmem>> -> memref<2304xf32, #tpu.memory_space<vmem>>
      %dma_wait3A_596 = tpu.memref_slice %arg2[%select_n3A, %mul3A_265] : memref<2x2097152xf32, #tpu.memory_space<hbm>> -> memref<1x2304xf32, #tpu.memory_space<hbm>>
      %dma_wait3A_597 = tpu.memref_squeeze %dma_wait3A_596 : memref<1x2304xf32, #tpu.memory_space<hbm>> -> memref<2304xf32, #tpu.memory_space<hbm>>
      %dma_wait3A_598 = arith.constant 23040 : i32
      %dma_wait3A_599 = tpu.memref_slice %arg6[%dma_wait3A_598] : memref<41472xf32, #tpu.memory_space<vmem>> -> memref<2304xf32, #tpu.memory_space<vmem>>
      %dma_wait3A_600 = tpu.memref_slice %arg2[%select_n3A, %mul3A_265] : memref<2x2097152xf32, #tpu.memory_space<hbm>> -> memref<1x2304xf32, #tpu.memory_space<hbm>>
      %dma_wait3A_601 = tpu.memref_squeeze %dma_wait3A_600 : memref<1x2304xf32, #tpu.memory_space<hbm>> -> memref<2304xf32, #tpu.memory_space<hbm>>
      tpu.wait_dma2 semaphore(%arg11 : memref<!tpu.dma_semaphore, #tpu.memory_space<semaphore_mem>>) src(%dma_wait3A_601 : memref<2304xf32, #tpu.memory_space<hbm>>) dst(%dma_wait3A_599 : memref<2304xf32, #tpu.memory_space<vmem>>)
      %dma_wait3A_602 = arith.constant 25344 : i32
      %dma_wait3A_603 = tpu.memref_slice %arg6[%dma_wait3A_602] : memref<41472xf32, #tpu.memory_space<vmem>> -> memref<2304xf32, #tpu.memory_space<vmem>>
      %dma_wait3A_604 = tpu.memref_slice %arg2[%select_n3A, %mul3A_280] : memref<2x2097152xf32, #tpu.memory_space<hbm>> -> memref<1x2304xf32, #tpu.memory_space<hbm>>
      %dma_wait3A_605 = tpu.memref_squeeze %dma_wait3A_604 : memref<1x2304xf32, #tpu.memory_space<hbm>> -> memref<2304xf32, #tpu.memory_space<hbm>>
      %dma_wait3A_606 = arith.constant 25344 : i32
      %dma_wait3A_607 = tpu.memref_slice %arg6[%dma_wait3A_606] : memref<41472xf32, #tpu.memory_space<vmem>> -> memref<2304xf32, #tpu.memory_space<vmem>>
      %dma_wait3A_608 = tpu.memref_slice %arg2[%select_n3A, %mul3A_280] : memref<2x2097152xf32, #tpu.memory_space<hbm>> -> memref<1x2304xf32, #tpu.memory_space<hbm>>
      %dma_wait3A_609 = tpu.memref_squeeze %dma_wait3A_608 : memref<1x2304xf32, #tpu.memory_space<hbm>> -> memref<2304xf32, #tpu.memory_space<hbm>>
      tpu.wait_dma2 semaphore(%arg11 : memref<!tpu.dma_semaphore, #tpu.memory_space<semaphore_mem>>) src(%dma_wait3A_609 : memref<2304xf32, #tpu.memory_space<hbm>>) dst(%dma_wait3A_607 : memref<2304xf32, #tpu.memory_space<vmem>>)
      %dma_wait3A_610 = arith.constant 27648 : i32
      %dma_wait3A_611 = tpu.memref_slice %arg6[%dma_wait3A_610] : memref<41472xf32, #tpu.memory_space<vmem>> -> memref<2304xf32, #tpu.memory_space<vmem>>
      %dma_wait3A_612 = tpu.memref_slice %arg2[%select_n3A, %mul3A_295] : memref<2x2097152xf32, #tpu.memory_space<hbm>> -> memref<1x2304xf32, #tpu.memory_space<hbm>>
      %dma_wait3A_613 = tpu.memref_squeeze %dma_wait3A_612 : memref<1x2304xf32, #tpu.memory_space<hbm>> -> memref<2304xf32, #tpu.memory_space<hbm>>
      %dma_wait3A_614 = arith.constant 27648 : i32
      %dma_wait3A_615 = tpu.memref_slice %arg6[%dma_wait3A_614] : memref<41472xf32, #tpu.memory_space<vmem>> -> memref<2304xf32, #tpu.memory_space<vmem>>
      %dma_wait3A_616 = tpu.memref_slice %arg2[%select_n3A, %mul3A_295] : memref<2x2097152xf32, #tpu.memory_space<hbm>> -> memref<1x2304xf32, #tpu.memory_space<hbm>>
      %dma_wait3A_617 = tpu.memref_squeeze %dma_wait3A_616 : memref<1x2304xf32, #tpu.memory_space<hbm>> -> memref<2304xf32, #tpu.memory_space<hbm>>
      tpu.wait_dma2 semaphore(%arg11 : memref<!tpu.dma_semaphore, #tpu.memory_space<semaphore_mem>>) src(%dma_wait3A_617 : memref<2304xf32, #tpu.memory_space<hbm>>) dst(%dma_wait3A_615 : memref<2304xf32, #tpu.memory_space<vmem>>)
      %dma_wait3A_618 = arith.constant 29952 : i32
      %dma_wait3A_619 = tpu.memref_slice %arg6[%dma_wait3A_618] : memref<41472xf32, #tpu.memory_space<vmem>> -> memref<2304xf32, #tpu.memory_space<vmem>>
      %dma_wait3A_620 = tpu.memref_slice %arg2[%select_n3A, %mul3A_310] : memref<2x2097152xf32, #tpu.memory_space<hbm>> -> memref<1x2304xf32, #tpu.memory_space<hbm>>
      %dma_wait3A_621 = tpu.memref_squeeze %dma_wait3A_620 : memref<1x2304xf32, #tpu.memory_space<hbm>> -> memref<2304xf32, #tpu.memory_space<hbm>>
      %dma_wait3A_622 = arith.constant 29952 : i32
      %dma_wait3A_623 = tpu.memref_slice %arg6[%dma_wait3A_622] : memref<41472xf32, #tpu.memory_space<vmem>> -> memref<2304xf32, #tpu.memory_space<vmem>>
      %dma_wait3A_624 = tpu.memref_slice %arg2[%select_n3A, %mul3A_310] : memref<2x2097152xf32, #tpu.memory_space<hbm>> -> memref<1x2304xf32, #tpu.memory_space<hbm>>
      %dma_wait3A_625 = tpu.memref_squeeze %dma_wait3A_624 : memref<1x2304xf32, #tpu.memory_space<hbm>> -> memref<2304xf32, #tpu.memory_space<hbm>>
      tpu.wait_dma2 semaphore(%arg11 : memref<!tpu.dma_semaphore, #tpu.memory_space<semaphore_mem>>) src(%dma_wait3A_625 : memref<2304xf32, #tpu.memory_space<hbm>>) dst(%dma_wait3A_623 : memref<2304xf32, #tpu.memory_space<vmem>>)
      %dma_wait3A_626 = arith.constant 32256 : i32
      %dma_wait3A_627 = tpu.memref_slice %arg6[%dma_wait3A_626] : memref<41472xf32, #tpu.memory_space<vmem>> -> memref<2304xf32, #tpu.memory_space<vmem>>
      %dma_wait3A_628 = tpu.memref_slice %arg2[%select_n3A, %mul3A_325] : memref<2x2097152xf32, #tpu.memory_space<hbm>> -> memref<1x2304xf32, #tpu.memory_space<hbm>>
      %dma_wait3A_629 = tpu.memref_squeeze %dma_wait3A_628 : memref<1x2304xf32, #tpu.memory_space<hbm>> -> memref<2304xf32, #tpu.memory_space<hbm>>
      %dma_wait3A_630 = arith.constant 32256 : i32
      %dma_wait3A_631 = tpu.memref_slice %arg6[%dma_wait3A_630] : memref<41472xf32, #tpu.memory_space<vmem>> -> memref<2304xf32, #tpu.memory_space<vmem>>
      %dma_wait3A_632 = tpu.memref_slice %arg2[%select_n3A, %mul3A_325] : memref<2x2097152xf32, #tpu.memory_space<hbm>> -> memref<1x2304xf32, #tpu.memory_space<hbm>>
      %dma_wait3A_633 = tpu.memref_squeeze %dma_wait3A_632 : memref<1x2304xf32, #tpu.memory_space<hbm>> -> memref<2304xf32, #tpu.memory_space<hbm>>
      tpu.wait_dma2 semaphore(%arg11 : memref<!tpu.dma_semaphore, #tpu.memory_space<semaphore_mem>>) src(%dma_wait3A_633 : memref<2304xf32, #tpu.memory_space<hbm>>) dst(%dma_wait3A_631 : memref<2304xf32, #tpu.memory_space<vmem>>)
      %dma_wait3A_634 = arith.constant 34560 : i32
      %dma_wait3A_635 = tpu.memref_slice %arg6[%dma_wait3A_634] : memref<41472xf32, #tpu.memory_space<vmem>> -> memref<2304xf32, #tpu.memory_space<vmem>>
      %dma_wait3A_636 = tpu.memref_slice %arg2[%select_n3A, %mul3A_340] : memref<2x2097152xf32, #tpu.memory_space<hbm>> -> memref<1x2304xf32, #tpu.memory_space<hbm>>
      %dma_wait3A_637 = tpu.memref_squeeze %dma_wait3A_636 : memref<1x2304xf32, #tpu.memory_space<hbm>> -> memref<2304xf32, #tpu.memory_space<hbm>>
      %dma_wait3A_638 = arith.constant 34560 : i32
      %dma_wait3A_639 = tpu.memref_slice %arg6[%dma_wait3A_638] : memref<41472xf32, #tpu.memory_space<vmem>> -> memref<2304xf32, #tpu.memory_space<vmem>>
      %dma_wait3A_640 = tpu.memref_slice %arg2[%select_n3A, %mul3A_340] : memref<2x2097152xf32, #tpu.memory_space<hbm>> -> memref<1x2304xf32, #tpu.memory_space<hbm>>
      %dma_wait3A_641 = tpu.memref_squeeze %dma_wait3A_640 : memref<1x2304xf32, #tpu.memory_space<hbm>> -> memref<2304xf32, #tpu.memory_space<hbm>>
      tpu.wait_dma2 semaphore(%arg11 : memref<!tpu.dma_semaphore, #tpu.memory_space<semaphore_mem>>) src(%dma_wait3A_641 : memref<2304xf32, #tpu.memory_space<hbm>>) dst(%dma_wait3A_639 : memref<2304xf32, #tpu.memory_space<vmem>>)
      %dma_wait3A_642 = arith.constant 36864 : i32
      %dma_wait3A_643 = tpu.memref_slice %arg6[%dma_wait3A_642] : memref<41472xf32, #tpu.memory_space<vmem>> -> memref<2304xf32, #tpu.memory_space<vmem>>
      %dma_wait3A_644 = tpu.memref_slice %arg2[%select_n3A, %mul3A_355] : memref<2x2097152xf32, #tpu.memory_space<hbm>> -> memref<1x2304xf32, #tpu.memory_space<hbm>>
      %dma_wait3A_645 = tpu.memref_squeeze %dma_wait3A_644 : memref<1x2304xf32, #tpu.memory_space<hbm>> -> memref<2304xf32, #tpu.memory_space<hbm>>
      %dma_wait3A_646 = arith.constant 36864 : i32
      %dma_wait3A_647 = tpu.memref_slice %arg6[%dma_wait3A_646] : memref<41472xf32, #tpu.memory_space<vmem>> -> memref<2304xf32, #tpu.memory_space<vmem>>
      %dma_wait3A_648 = tpu.memref_slice %arg2[%select_n3A, %mul3A_355] : memref<2x2097152xf32, #tpu.memory_space<hbm>> -> memref<1x2304xf32, #tpu.memory_space<hbm>>
      %dma_wait3A_649 = tpu.memref_squeeze %dma_wait3A_648 : memref<1x2304xf32, #tpu.memory_space<hbm>> -> memref<2304xf32, #tpu.memory_space<hbm>>
      tpu.wait_dma2 semaphore(%arg11 : memref<!tpu.dma_semaphore, #tpu.memory_space<semaphore_mem>>) src(%dma_wait3A_649 : memref<2304xf32, #tpu.memory_space<hbm>>) dst(%dma_wait3A_647 : memref<2304xf32, #tpu.memory_space<vmem>>)
      %dma_wait3A_650 = arith.constant 39168 : i32
      %dma_wait3A_651 = tpu.memref_slice %arg6[%dma_wait3A_650] : memref<41472xf32, #tpu.memory_space<vmem>> -> memref<2304xf32, #tpu.memory_space<vmem>>
      %dma_wait3A_652 = tpu.memref_slice %arg2[%select_n3A, %mul3A_370] : memref<2x2097152xf32, #tpu.memory_space<hbm>> -> memref<1x2304xf32, #tpu.memory_space<hbm>>
      %dma_wait3A_653 = tpu.memref_squeeze %dma_wait3A_652 : memref<1x2304xf32, #tpu.memory_space<hbm>> -> memref<2304xf32, #tpu.memory_space<hbm>>
      %dma_wait3A_654 = arith.constant 39168 : i32
      %dma_wait3A_655 = tpu.memref_slice %arg6[%dma_wait3A_654] : memref<41472xf32, #tpu.memory_space<vmem>> -> memref<2304xf32, #tpu.memory_space<vmem>>
      %dma_wait3A_656 = tpu.memref_slice %arg2[%select_n3A, %mul3A_370] : memref<2x2097152xf32, #tpu.memory_space<hbm>> -> memref<1x2304xf32, #tpu.memory_space<hbm>>
      %dma_wait3A_657 = tpu.memref_squeeze %dma_wait3A_656 : memref<1x2304xf32, #tpu.memory_space<hbm>> -> memref<2304xf32, #tpu.memory_space<hbm>>
      tpu.wait_dma2 semaphore(%arg11 : memref<!tpu.dma_semaphore, #tpu.memory_space<semaphore_mem>>) src(%dma_wait3A_657 : memref<2304xf32, #tpu.memory_space<hbm>>) dst(%dma_wait3A_655 : memref<2304xf32, #tpu.memory_space<vmem>>)
      %dma_wait3A_658 = arith.constant 0 : i32
      %dma_wait3A_659 = tpu.memref_slice %arg7[%dma_wait3A_658] : memref<24576xf32, #tpu.memory_space<vmem>> -> memref<3072xf32, #tpu.memory_space<vmem>>
      %dma_wait3A_660 = tpu.memref_slice %arg4[%select_n3A, %mul3A_387] : memref<2x6291456xf32, #tpu.memory_space<hbm>> -> memref<1x3072xf32, #tpu.memory_space<hbm>>
      %dma_wait3A_661 = tpu.memref_squeeze %dma_wait3A_660 : memref<1x3072xf32, #tpu.memory_space<hbm>> -> memref<3072xf32, #tpu.memory_space<hbm>>
      %dma_wait3A_662 = arith.constant 0 : i32
      %dma_wait3A_663 = tpu.memref_slice %arg7[%dma_wait3A_662] : memref<24576xf32, #tpu.memory_space<vmem>> -> memref<3072xf32, #tpu.memory_space<vmem>>
      %dma_wait3A_664 = tpu.memref_slice %arg4[%select_n3A, %mul3A_387] : memref<2x6291456xf32, #tpu.memory_space<hbm>> -> memref<1x3072xf32, #tpu.memory_space<hbm>>
      %dma_wait3A_665 = tpu.memref_squeeze %dma_wait3A_664 : memref<1x3072xf32, #tpu.memory_space<hbm>> -> memref<3072xf32, #tpu.memory_space<hbm>>
      tpu.wait_dma2 semaphore(%arg11 : memref<!tpu.dma_semaphore, #tpu.memory_space<semaphore_mem>>) src(%dma_wait3A_665 : memref<3072xf32, #tpu.memory_space<hbm>>) dst(%dma_wait3A_663 : memref<3072xf32, #tpu.memory_space<vmem>>)
      %dma_wait3A_666 = arith.constant 3072 : i32
      %dma_wait3A_667 = tpu.memref_slice %arg7[%dma_wait3A_666] : memref<24576xf32, #tpu.memory_space<vmem>> -> memref<3072xf32, #tpu.memory_space<vmem>>
      %dma_wait3A_668 = tpu.memref_slice %arg4[%select_n3A, %mul3A_404] : memref<2x6291456xf32, #tpu.memory_space<hbm>> -> memref<1x3072xf32, #tpu.memory_space<hbm>>
      %dma_wait3A_669 = tpu.memref_squeeze %dma_wait3A_668 : memref<1x3072xf32, #tpu.memory_space<hbm>> -> memref<3072xf32, #tpu.memory_space<hbm>>
      %dma_wait3A_670 = arith.constant 3072 : i32
      %dma_wait3A_671 = tpu.memref_slice %arg7[%dma_wait3A_670] : memref<24576xf32, #tpu.memory_space<vmem>> -> memref<3072xf32, #tpu.memory_space<vmem>>
      %dma_wait3A_672 = tpu.memref_slice %arg4[%select_n3A, %mul3A_404] : memref<2x6291456xf32, #tpu.memory_space<hbm>> -> memref<1x3072xf32, #tpu.memory_space<hbm>>
      %dma_wait3A_673 = tpu.memref_squeeze %dma_wait3A_672 : memref<1x3072xf32, #tpu.memory_space<hbm>> -> memref<3072xf32, #tpu.memory_space<hbm>>
      tpu.wait_dma2 semaphore(%arg11 : memref<!tpu.dma_semaphore, #tpu.memory_space<semaphore_mem>>) src(%dma_wait3A_673 : memref<3072xf32, #tpu.memory_space<hbm>>) dst(%dma_wait3A_671 : memref<3072xf32, #tpu.memory_space<vmem>>)
      %dma_wait3A_674 = arith.constant 6144 : i32
      %dma_wait3A_675 = tpu.memref_slice %arg7[%dma_wait3A_674] : memref<24576xf32, #tpu.memory_space<vmem>> -> memref<3072xf32, #tpu.memory_space<vmem>>
      %dma_wait3A_676 = tpu.memref_slice %arg4[%select_n3A, %mul3A_421] : memref<2x6291456xf32, #tpu.memory_space<hbm>> -> memref<1x3072xf32, #tpu.memory_space<hbm>>
      %dma_wait3A_677 = tpu.memref_squeeze %dma_wait3A_676 : memref<1x3072xf32, #tpu.memory_space<hbm>> -> memref<3072xf32, #tpu.memory_space<hbm>>
      %dma_wait3A_678 = arith.constant 6144 : i32
      %dma_wait3A_679 = tpu.memref_slice %arg7[%dma_wait3A_678] : memref<24576xf32, #tpu.memory_space<vmem>> -> memref<3072xf32, #tpu.memory_space<vmem>>
      %dma_wait3A_680 = tpu.memref_slice %arg4[%select_n3A, %mul3A_421] : memref<2x6291456xf32, #tpu.memory_space<hbm>> -> memref<1x3072xf32, #tpu.memory_space<hbm>>
      %dma_wait3A_681 = tpu.memref_squeeze %dma_wait3A_680 : memref<1x3072xf32, #tpu.memory_space<hbm>> -> memref<3072xf32, #tpu.memory_space<hbm>>
      tpu.wait_dma2 semaphore(%arg11 : memref<!tpu.dma_semaphore, #tpu.memory_space<semaphore_mem>>) src(%dma_wait3A_681 : memref<3072xf32, #tpu.memory_space<hbm>>) dst(%dma_wait3A_679 : memref<3072xf32, #tpu.memory_space<vmem>>)
      %dma_wait3A_682 = arith.constant 9216 : i32
      %dma_wait3A_683 = tpu.memref_slice %arg7[%dma_wait3A_682] : memref<24576xf32, #tpu.memory_space<vmem>> -> memref<3072xf32, #tpu.memory_space<vmem>>
      %dma_wait3A_684 = tpu.memref_slice %arg4[%select_n3A, %mul3A_438] : memref<2x6291456xf32, #tpu.memory_space<hbm>> -> memref<1x3072xf32, #tpu.memory_space<hbm>>
      %dma_wait3A_685 = tpu.memref_squeeze %dma_wait3A_684 : memref<1x3072xf32, #tpu.memory_space<hbm>> -> memref<3072xf32, #tpu.memory_space<hbm>>
      %dma_wait3A_686 = arith.constant 9216 : i32
      %dma_wait3A_687 = tpu.memref_slice %arg7[%dma_wait3A_686] : memref<24576xf32, #tpu.memory_space<vmem>> -> memref<3072xf32, #tpu.memory_space<vmem>>
      %dma_wait3A_688 = tpu.memref_slice %arg4[%select_n3A, %mul3A_438] : memref<2x6291456xf32, #tpu.memory_space<hbm>> -> memref<1x3072xf32, #tpu.memory_space<hbm>>
      %dma_wait3A_689 = tpu.memref_squeeze %dma_wait3A_688 : memref<1x3072xf32, #tpu.memory_space<hbm>> -> memref<3072xf32, #tpu.memory_space<hbm>>
      tpu.wait_dma2 semaphore(%arg11 : memref<!tpu.dma_semaphore, #tpu.memory_space<semaphore_mem>>) src(%dma_wait3A_689 : memref<3072xf32, #tpu.memory_space<hbm>>) dst(%dma_wait3A_687 : memref<3072xf32, #tpu.memory_space<vmem>>)
      %dma_wait3A_690 = arith.constant 12288 : i32
      %dma_wait3A_691 = tpu.memref_slice %arg7[%dma_wait3A_690] : memref<24576xf32, #tpu.memory_space<vmem>> -> memref<3072xf32, #tpu.memory_space<vmem>>
      %dma_wait3A_692 = tpu.memref_slice %arg4[%select_n3A, %mul3A_455] : memref<2x6291456xf32, #tpu.memory_space<hbm>> -> memref<1x3072xf32, #tpu.memory_space<hbm>>
      %dma_wait3A_693 = tpu.memref_squeeze %dma_wait3A_692 : memref<1x3072xf32, #tpu.memory_space<hbm>> -> memref<3072xf32, #tpu.memory_space<hbm>>
      %dma_wait3A_694 = arith.constant 12288 : i32
      %dma_wait3A_695 = tpu.memref_slice %arg7[%dma_wait3A_694] : memref<24576xf32, #tpu.memory_space<vmem>> -> memref<3072xf32, #tpu.memory_space<vmem>>
      %dma_wait3A_696 = tpu.memref_slice %arg4[%select_n3A, %mul3A_455] : memref<2x6291456xf32, #tpu.memory_space<hbm>> -> memref<1x3072xf32, #tpu.memory_space<hbm>>
      %dma_wait3A_697 = tpu.memref_squeeze %dma_wait3A_696 : memref<1x3072xf32, #tpu.memory_space<hbm>> -> memref<3072xf32, #tpu.memory_space<hbm>>
      tpu.wait_dma2 semaphore(%arg11 : memref<!tpu.dma_semaphore, #tpu.memory_space<semaphore_mem>>) src(%dma_wait3A_697 : memref<3072xf32, #tpu.memory_space<hbm>>) dst(%dma_wait3A_695 : memref<3072xf32, #tpu.memory_space<vmem>>)
      %dma_wait3A_698 = arith.constant 15360 : i32
      %dma_wait3A_699 = tpu.memref_slice %arg7[%dma_wait3A_698] : memref<24576xf32, #tpu.memory_space<vmem>> -> memref<3072xf32, #tpu.memory_space<vmem>>
      %dma_wait3A_700 = tpu.memref_slice %arg4[%select_n3A, %mul3A_472] : memref<2x6291456xf32, #tpu.memory_space<hbm>> -> memref<1x3072xf32, #tpu.memory_space<hbm>>
      %dma_wait3A_701 = tpu.memref_squeeze %dma_wait3A_700 : memref<1x3072xf32, #tpu.memory_space<hbm>> -> memref<3072xf32, #tpu.memory_space<hbm>>
      %dma_wait3A_702 = arith.constant 15360 : i32
      %dma_wait3A_703 = tpu.memref_slice %arg7[%dma_wait3A_702] : memref<24576xf32, #tpu.memory_space<vmem>> -> memref<3072xf32, #tpu.memory_space<vmem>>
      %dma_wait3A_704 = tpu.memref_slice %arg4[%select_n3A, %mul3A_472] : memref<2x6291456xf32, #tpu.memory_space<hbm>> -> memref<1x3072xf32, #tpu.memory_space<hbm>>
      %dma_wait3A_705 = tpu.memref_squeeze %dma_wait3A_704 : memref<1x3072xf32, #tpu.memory_space<hbm>> -> memref<3072xf32, #tpu.memory_space<hbm>>
      tpu.wait_dma2 semaphore(%arg11 : memref<!tpu.dma_semaphore, #tpu.memory_space<semaphore_mem>>) src(%dma_wait3A_705 : memref<3072xf32, #tpu.memory_space<hbm>>) dst(%dma_wait3A_703 : memref<3072xf32, #tpu.memory_space<vmem>>)
      %dma_wait3A_706 = arith.constant 18432 : i32
      %dma_wait3A_707 = tpu.memref_slice %arg7[%dma_wait3A_706] : memref<24576xf32, #tpu.memory_space<vmem>> -> memref<3072xf32, #tpu.memory_space<vmem>>
      %dma_wait3A_708 = tpu.memref_slice %arg4[%select_n3A, %mul3A_489] : memref<2x6291456xf32, #tpu.memory_space<hbm>> -> memref<1x3072xf32, #tpu.memory_space<hbm>>
      %dma_wait3A_709 = tpu.memref_squeeze %dma_wait3A_708 : memref<1x3072xf32, #tpu.memory_space<hbm>> -> memref<3072xf32, #tpu.memory_space<hbm>>
      %dma_wait3A_710 = arith.constant 18432 : i32
      %dma_wait3A_711 = tpu.memref_slice %arg7[%dma_wait3A_710] : memref<24576xf32, #tpu.memory_space<vmem>> -> memref<3072xf32, #tpu.memory_space<vmem>>
      %dma_wait3A_712 = tpu.memref_slice %arg4[%select_n3A, %mul3A_489] : memref<2x6291456xf32, #tpu.memory_space<hbm>> -> memref<1x3072xf32, #tpu.memory_space<hbm>>
      %dma_wait3A_713 = tpu.memref_squeeze %dma_wait3A_712 : memref<1x3072xf32, #tpu.memory_space<hbm>> -> memref<3072xf32, #tpu.memory_space<hbm>>
      tpu.wait_dma2 semaphore(%arg11 : memref<!tpu.dma_semaphore, #tpu.memory_space<semaphore_mem>>) src(%dma_wait3A_713 : memref<3072xf32, #tpu.memory_space<hbm>>) dst(%dma_wait3A_711 : memref<3072xf32, #tpu.memory_space<vmem>>)
      %dma_wait3A_714 = arith.constant 21504 : i32
      %dma_wait3A_715 = tpu.memref_slice %arg7[%dma_wait3A_714] : memref<24576xf32, #tpu.memory_space<vmem>> -> memref<3072xf32, #tpu.memory_space<vmem>>
      %dma_wait3A_716 = tpu.memref_slice %arg4[%select_n3A, %mul3A_506] : memref<2x6291456xf32, #tpu.memory_space<hbm>> -> memref<1x3072xf32, #tpu.memory_space<hbm>>
      %dma_wait3A_717 = tpu.memref_squeeze %dma_wait3A_716 : memref<1x3072xf32, #tpu.memory_space<hbm>> -> memref<3072xf32, #tpu.memory_space<hbm>>
      %dma_wait3A_718 = arith.constant 21504 : i32
      %dma_wait3A_719 = tpu.memref_slice %arg7[%dma_wait3A_718] : memref<24576xf32, #tpu.memory_space<vmem>> -> memref<3072xf32, #tpu.memory_space<vmem>>
      %dma_wait3A_720 = tpu.memref_slice %arg4[%select_n3A, %mul3A_506] : memref<2x6291456xf32, #tpu.memory_space<hbm>> -> memref<1x3072xf32, #tpu.memory_space<hbm>>
      %dma_wait3A_721 = tpu.memref_squeeze %dma_wait3A_720 : memref<1x3072xf32, #tpu.memory_space<hbm>> -> memref<3072xf32, #tpu.memory_space<hbm>>
      tpu.wait_dma2 semaphore(%arg11 : memref<!tpu.dma_semaphore, #tpu.memory_space<semaphore_mem>>) src(%dma_wait3A_721 : memref<3072xf32, #tpu.memory_space<hbm>>) dst(%dma_wait3A_719 : memref<3072xf32, #tpu.memory_space<vmem>>)
      %convert_element_type3A_722 = arith.sitofp %select_n3A_99 : i32 to f32
      %convert_element_type3A_723 = arith.sitofp %select_n3A_109 : i32 to f32
      %gt3A = arith.constant 0 : i32
      %gt3A_724 = arith.cmpi sgt, %select_n3A_99, %gt3A : i32
      %jit3A_725 = arith.constant 0.000000e+00 : f32
      %jit3A_726 = arith.constant 0xFF800000 : f32
      %select_n3A_727 = arith.select %gt3A_724, %jit3A_725, %jit3A_726 : f32
      %lt3A_728 = arith.constant 110 : i32
      %lt3A_729 = arith.cmpi slt, %select_n3A_99, %lt3A_728 : i32
      %jit3A_730 = arith.constant 1.700000e+01 : f32
      %jit3A_731 = arith.constant 0x7F800000 : f32
      %select_n3A_732 = arith.select %lt3A_729, %jit3A_730, %jit3A_731 : f32
      %gt3A_733 = arith.constant 0 : i32
      %gt3A_734 = arith.cmpi sgt, %select_n3A_109, %gt3A_733 : i32
      %jit3A_735 = arith.constant 0.000000e+00 : f32
      %jit3A_736 = arith.constant 0xFF800000 : f32
      %select_n3A_737 = arith.select %gt3A_734, %jit3A_735, %jit3A_736 : f32
      %lt3A_738 = arith.constant 110 : i32
      %lt3A_739 = arith.cmpi slt, %select_n3A_109, %lt3A_738 : i32
      %jit3A_740 = arith.constant 1.700000e+01 : f32
      %jit3A_741 = arith.constant 0x7F800000 : f32
      %select_n3A_742 = arith.select %lt3A_739, %jit3A_740, %jit3A_741 : f32
      %mul3A_743 = arith.constant 2097152 : i32
      %mul3A_744 = arith.muli %select_n3A, %mul3A_743 : i32
      %scan3A_745 = arith.constant 0 : i32
      %scan3A_746 = arith.constant 512 : i32
      %scan3A_747 = arith.addi %scan3A_745, %scan3A_746 : i32
      %scan3A_748 = arith.constant 1 : i32
      scf.for %scan3A_934 = %scan3A_745 to %scan3A_747 step %scan3A_748  : i32 {
        %mul3A_935 = arith.constant 1 : i32
        %mul3A_936 = arith.muli %scan3A_934, %mul3A_935 : i32
        %add3A_937 = arith.constant 0 : i32
        %add3A_938 = arith.addi %add3A_937, %mul3A_936 : i32
        %jit3A_939 = arith.constant 64 : i32
        %div3A_940 = arith.divsi %add3A_938, %jit3A_939 : i32
        %sign3A_941 = arith.constant 0 : i32
        %sign3A_942 = arith.cmpi sgt, %add3A_938, %sign3A_941 : i32
        %sign3A_943 = arith.extui %sign3A_942 : i1 to i32
        %sign3A_944 = arith.constant 0 : i32
        %sign3A_945 = arith.cmpi slt, %add3A_938, %sign3A_944 : i32
        %sign3A_946 = arith.extui %sign3A_945 : i1 to i32
        %sign3A_947 = arith.subi %sign3A_943, %sign3A_946 : i32
        %sign3A_948 = arith.constant 0 : i32
        %sign3A_949 = arith.cmpi sgt, %jit3A_939, %sign3A_948 : i32
        %sign3A_950 = arith.extui %sign3A_949 : i1 to i32
        %sign3A_951 = arith.constant 0 : i32
        %sign3A_952 = arith.cmpi slt, %jit3A_939, %sign3A_951 : i32
        %sign3A_953 = arith.extui %sign3A_952 : i1 to i32
        %sign3A_954 = arith.subi %sign3A_950, %sign3A_953 : i32
        %ne3A_955 = arith.cmpi ne, %sign3A_947, %sign3A_954 : i32
        %rem3A_956 = arith.remsi %add3A_938, %jit3A_939 : i32
        %ne3A_957 = arith.constant 0 : i32
        %ne3A_958 = arith.cmpi ne, %rem3A_956, %ne3A_957 : i32
        %and3A_959 = arith.andi %ne3A_955, %ne3A_958 : i1
        %sub3A_960 = arith.constant 1 : i32
        %sub3A_961 = arith.subi %div3A_940, %sub3A_960 : i32
        %select_n3A_962 = arith.select %and3A_959, %sub3A_961, %div3A_940 : i32
        %jit3A_963 = arith.constant 64 : i32
        %eq3A_964 = arith.constant 0 : i32
        %eq3A_965 = arith.cmpi eq, %jit3A_963, %eq3A_964 : i32
        %jit3A_966 = arith.constant 1 : i32
        %select_n3A_967 = arith.select %eq3A_965, %jit3A_966, %jit3A_963 : i32
        %rem3A_968 = arith.remsi %add3A_938, %select_n3A_967 : i32
        %ne3A_969 = arith.constant 0 : i32
        %ne3A_970 = arith.cmpi ne, %rem3A_968, %ne3A_969 : i32
        %lt3A_971 = arith.constant 0 : i32
        %lt3A_972 = arith.cmpi slt, %rem3A_968, %lt3A_971 : i32
        %lt3A_973 = arith.constant 0 : i32
        %lt3A_974 = arith.cmpi slt, %select_n3A_967, %lt3A_973 : i32
        %ne3A_975 = arith.xori %lt3A_972, %lt3A_974 : i1
        %and3A_976 = arith.andi %ne3A_975, %ne3A_970 : i1
        %add3A_977 = arith.addi %rem3A_968, %select_n3A_967 : i32
        %select_n3A_978 = arith.select %and3A_976, %add3A_977, %rem3A_968 : i32
        %jit3A_979 = arith.constant 8 : i32
        %div3A_980 = arith.divsi %select_n3A_978, %jit3A_979 : i32
        %sign3A_981 = arith.constant 0 : i32
        %sign3A_982 = arith.cmpi sgt, %select_n3A_978, %sign3A_981 : i32
        %sign3A_983 = arith.extui %sign3A_982 : i1 to i32
        %sign3A_984 = arith.constant 0 : i32
        %sign3A_985 = arith.cmpi slt, %select_n3A_978, %sign3A_984 : i32
        %sign3A_986 = arith.extui %sign3A_985 : i1 to i32
        %sign3A_987 = arith.subi %sign3A_983, %sign3A_986 : i32
        %sign3A_988 = arith.constant 0 : i32
        %sign3A_989 = arith.cmpi sgt, %jit3A_979, %sign3A_988 : i32
        %sign3A_990 = arith.extui %sign3A_989 : i1 to i32
        %sign3A_991 = arith.constant 0 : i32
        %sign3A_992 = arith.cmpi slt, %jit3A_979, %sign3A_991 : i32
        %sign3A_993 = arith.extui %sign3A_992 : i1 to i32
        %sign3A_994 = arith.subi %sign3A_990, %sign3A_993 : i32
        %ne3A_995 = arith.cmpi ne, %sign3A_987, %sign3A_994 : i32
        %rem3A_996 = arith.remsi %select_n3A_978, %jit3A_979 : i32
        %ne3A_997 = arith.constant 0 : i32
        %ne3A_998 = arith.cmpi ne, %rem3A_996, %ne3A_997 : i32
        %and3A_999 = arith.andi %ne3A_995, %ne3A_998 : i1
        %sub3A_1000 = arith.constant 1 : i32
        %sub3A_1001 = arith.subi %div3A_980, %sub3A_1000 : i32
        %select_n3A_1002 = arith.select %and3A_999, %sub3A_1001, %div3A_980 : i32
        %jit3A_1003 = arith.constant 8 : i32
        %eq3A_1004 = arith.constant 0 : i32
        %eq3A_1005 = arith.cmpi eq, %jit3A_1003, %eq3A_1004 : i32
        %jit3A_1006 = arith.constant 1 : i32
        %select_n3A_1007 = arith.select %eq3A_1005, %jit3A_1006, %jit3A_1003 : i32
        %rem3A_1008 = arith.remsi %select_n3A_978, %select_n3A_1007 : i32
        %ne3A_1009 = arith.constant 0 : i32
        %ne3A_1010 = arith.cmpi ne, %rem3A_1008, %ne3A_1009 : i32
        %lt3A_1011 = arith.constant 0 : i32
        %lt3A_1012 = arith.cmpi slt, %rem3A_1008, %lt3A_1011 : i32
        %lt3A_1013 = arith.constant 0 : i32
        %lt3A_1014 = arith.cmpi slt, %select_n3A_1007, %lt3A_1013 : i32
        %ne3A_1015 = arith.xori %lt3A_1012, %lt3A_1014 : i1
        %and3A_1016 = arith.andi %ne3A_1015, %ne3A_1010 : i1
        %add3A_1017 = arith.addi %rem3A_1008, %select_n3A_1007 : i32
        %select_n3A_1018 = arith.select %and3A_1016, %add3A_1017, %rem3A_1008 : i32
        %mul3A_1019 = arith.constant 16 : i32
        %mul3A_1020 = arith.muli %select_n3A_1018, %mul3A_1019 : i32
        %mul3A_1021 = arith.constant 8 : i32
        %mul3A_1022 = arith.muli %select_n3A_962, %mul3A_1021 : i32
        %add3A_1023 = arith.addi %mul3A_1022, %select_n3A_1002 : i32
        %mul3A_1024 = arith.constant 128 : i32
        %mul3A_1025 = arith.muli %add3A_1023, %mul3A_1024 : i32
        %add3A_1026 = arith.addi %mul3A_1025, %mul3A_1020 : i32
        %mul3A_1027 = arith.constant 3 : i32
        %mul3A_1028 = arith.muli %add3A_1026, %mul3A_1027 : i32
        %add3A_1029 = vector.broadcast %mul3A_1028 : i32 to vector<16xi32>
        %add3A_1030 = arith.addi %mul3A_3, %add3A_1029 : vector<16xi32>
        %gather3A = tpu.vector_load_idx %arg7[%add3A_1030] : memref<24576xf32, #tpu.memory_space<vmem>>[vector<16xi32>], vector<16xf32>,
        %add3A_1031 = arith.constant 1 : i32
        %add3A_1032 = arith.addi %mul3A_1028, %add3A_1031 : i32
        %add3A_1033 = vector.broadcast %add3A_1032 : i32 to vector<16xi32>
        %add3A_1034 = arith.addi %mul3A_3, %add3A_1033 : vector<16xi32>
        %gather3A_1035 = tpu.vector_load_idx %arg7[%add3A_1034] : memref<24576xf32, #tpu.memory_space<vmem>>[vector<16xi32>], vector<16xf32>,
        %add3A_1036 = arith.constant 2 : i32
        %add3A_1037 = arith.addi %mul3A_1028, %add3A_1036 : i32
        %add3A_1038 = vector.broadcast %add3A_1037 : i32 to vector<16xi32>
        %add3A_1039 = arith.addi %mul3A_3, %add3A_1038 : vector<16xi32>
        %gather3A_1040 = tpu.vector_load_idx %arg7[%add3A_1039] : memref<24576xf32, #tpu.memory_space<vmem>>[vector<16xi32>], vector<16xf32>,
        %add3A_1041 = arith.addi %mul3A_71, %select_n3A_962 : i32
        %convert_element_type3A_1042 = arith.sitofp %add3A_1041 : i32 to f32
        %add3A_1043 = vector.broadcast %convert_element_type3A_1042 : f32 to vector<16xf32>
        %add3A_1044 = arith.addf %gather3A, %add3A_1043 : vector<16xf32>
        %add3A_1045 = arith.addi %mul3A_89, %select_n3A_1002 : i32
        %convert_element_type3A_1046 = arith.sitofp %add3A_1045 : i32 to f32
        %add3A_1047 = vector.broadcast %convert_element_type3A_1046 : f32 to vector<16xf32>
        %add3A_1048 = arith.addf %gather3A_1035, %add3A_1047 : vector<16xf32>
        %add3A_1049 = arith.addf %gather3A_1040, %convert_element_type3A : vector<16xf32>
        %convert_element_type3A_1050 = arith.sitofp %mul3A_1020 : i32 to f32
        %add3A_1051 = vector.broadcast %convert_element_type3A_1050 : f32 to vector<16xf32>
        %add3A_1052 = arith.addf %add3A_1049, %add3A_1051 : vector<16xf32>
        %convert_element_type3A_1053 = arith.fptosi %add3A_1044 : vector<16xf32> to vector<16xi32>
        %convert_element_type3A_1054 = arith.sitofp %convert_element_type3A_1053 : vector<16xi32> to vector<16xf32>
        %add3A_1055 = arith.constant 1.000000e+00 : f32
        %add3A_1056 = vector.broadcast %add3A_1055 : f32 to vector<16xf32>
        %add3A_1057 = arith.addf %convert_element_type3A_1054, %add3A_1056 : vector<16xf32>
        %sub3A_1058 = arith.subf %add3A_1057, %add3A_1044 : vector<16xf32>
        %min3A = arith.constant 1.000000e+00 : f32
        %min3A_1059 = vector.broadcast %min3A : f32 to vector<16xf32>
        %min3A_1060 = arith.minimumf %sub3A_1058, %min3A_1059 : vector<16xf32>
        %sub3A_1061 = vector.broadcast %convert_element_type3A_722 : f32 to vector<16xf32>
        %sub3A_1062 = arith.subf %convert_element_type3A_1054, %sub3A_1061 : vector<16xf32>
        %add3A_1063 = arith.constant 1.000000e+00 : f32
        %add3A_1064 = vector.broadcast %add3A_1063 : f32 to vector<16xf32>
        %add3A_1065 = arith.addf %sub3A_1062, %add3A_1064 : vector<16xf32>
        %max3A = arith.constant 0.000000e+00 : f32
        %max3A_1066 = vector.broadcast %max3A : f32 to vector<16xf32>
        %max3A_1067 = arith.maximumf %sub3A_1062, %max3A_1066 : vector<16xf32>
        %min3A_1068 = arith.constant 1.700000e+01 : f32
        %min3A_1069 = vector.broadcast %min3A_1068 : f32 to vector<16xf32>
        %min3A_1070 = arith.minimumf %max3A_1067, %min3A_1069 : vector<16xf32>
        %convert_element_type3A_1071 = arith.fptosi %min3A_1070 : vector<16xf32> to vector<16xi32>
        %max3A_1072 = arith.constant 0.000000e+00 : f32
        %max3A_1073 = vector.broadcast %max3A_1072 : f32 to vector<16xf32>
        %max3A_1074 = arith.maximumf %add3A_1065, %max3A_1073 : vector<16xf32>
        %min3A_1075 = arith.constant 1.700000e+01 : f32
        %min3A_1076 = vector.broadcast %min3A_1075 : f32 to vector<16xf32>
        %min3A_1077 = arith.minimumf %max3A_1074, %min3A_1076 : vector<16xf32>
        %convert_element_type3A_1078 = arith.fptosi %min3A_1077 : vector<16xf32> to vector<16xi32>
        %lt3A_1079 = vector.broadcast %select_n3A_727 : f32 to vector<16xf32>
        %lt3A_1080 = arith.cmpf olt, %sub3A_1062, %lt3A_1079 : vector<16xf32>
        %gt3A_1081 = vector.broadcast %select_n3A_732 : f32 to vector<16xf32>
        %gt3A_1082 = arith.cmpf ogt, %add3A_1065, %gt3A_1081 : vector<16xf32>
        %or3A = arith.ori %lt3A_1080, %gt3A_1082 : vector<16xi1>
        %convert_element_type3A_1083 = arith.fptosi %add3A_1048 : vector<16xf32> to vector<16xi32>
        %convert_element_type3A_1084 = arith.sitofp %convert_element_type3A_1083 : vector<16xi32> to vector<16xf32>
        %add3A_1085 = arith.constant 1.000000e+00 : f32
        %add3A_1086 = vector.broadcast %add3A_1085 : f32 to vector<16xf32>
        %add3A_1087 = arith.addf %convert_element_type3A_1084, %add3A_1086 : vector<16xf32>
        %sub3A_1088 = arith.subf %add3A_1087, %add3A_1048 : vector<16xf32>
        %min3A_1089 = arith.constant 1.000000e+00 : f32
        %min3A_1090 = vector.broadcast %min3A_1089 : f32 to vector<16xf32>
        %min3A_1091 = arith.minimumf %sub3A_1088, %min3A_1090 : vector<16xf32>
        %sub3A_1092 = vector.broadcast %convert_element_type3A_723 : f32 to vector<16xf32>
        %sub3A_1093 = arith.subf %convert_element_type3A_1084, %sub3A_1092 : vector<16xf32>
        %add3A_1094 = arith.constant 1.000000e+00 : f32
        %add3A_1095 = vector.broadcast %add3A_1094 : f32 to vector<16xf32>
        %add3A_1096 = arith.addf %sub3A_1093, %add3A_1095 : vector<16xf32>
        %max3A_1097 = arith.constant 0.000000e+00 : f32
        %max3A_1098 = vector.broadcast %max3A_1097 : f32 to vector<16xf32>
        %max3A_1099 = arith.maximumf %sub3A_1093, %max3A_1098 : vector<16xf32>
        %min3A_1100 = arith.constant 1.700000e+01 : f32
        %min3A_1101 = vector.broadcast %min3A_1100 : f32 to vector<16xf32>
        %min3A_1102 = arith.minimumf %max3A_1099, %min3A_1101 : vector<16xf32>
        %convert_element_type3A_1103 = arith.fptosi %min3A_1102 : vector<16xf32> to vector<16xi32>
        %max3A_1104 = arith.constant 0.000000e+00 : f32
        %max3A_1105 = vector.broadcast %max3A_1104 : f32 to vector<16xf32>
        %max3A_1106 = arith.maximumf %add3A_1096, %max3A_1105 : vector<16xf32>
        %min3A_1107 = arith.constant 1.700000e+01 : f32
        %min3A_1108 = vector.broadcast %min3A_1107 : f32 to vector<16xf32>
        %min3A_1109 = arith.minimumf %max3A_1106, %min3A_1108 : vector<16xf32>
        %convert_element_type3A_1110 = arith.fptosi %min3A_1109 : vector<16xf32> to vector<16xi32>
        %lt3A_1111 = vector.broadcast %select_n3A_737 : f32 to vector<16xf32>
        %lt3A_1112 = arith.cmpf olt, %sub3A_1093, %lt3A_1111 : vector<16xf32>
        %gt3A_1113 = vector.broadcast %select_n3A_742 : f32 to vector<16xf32>
        %gt3A_1114 = arith.cmpf ogt, %add3A_1096, %gt3A_1113 : vector<16xf32>
        %or3A_1115 = arith.ori %lt3A_1112, %gt3A_1114 : vector<16xi1>
        %convert_element_type3A_1116 = arith.fptosi %add3A_1052 : vector<16xf32> to vector<16xi32>
        %convert_element_type3A_1117 = arith.sitofp %convert_element_type3A_1116 : vector<16xi32> to vector<16xf32>
        %add3A_1118 = arith.constant 1.000000e+00 : f32
        %add3A_1119 = vector.broadcast %add3A_1118 : f32 to vector<16xf32>
        %add3A_1120 = arith.addf %convert_element_type3A_1117, %add3A_1119 : vector<16xf32>
        %sub3A_1121 = arith.subf %add3A_1120, %add3A_1052 : vector<16xf32>
        %min3A_1122 = arith.constant 1.000000e+00 : f32
        %min3A_1123 = vector.broadcast %min3A_1122 : f32 to vector<16xf32>
        %min3A_1124 = arith.minimumf %sub3A_1121, %min3A_1123 : vector<16xf32>
        %max3A_1125 = arith.constant 0.000000e+00 : f32
        %max3A_1126 = vector.broadcast %max3A_1125 : f32 to vector<16xf32>
        %max3A_1127 = arith.maximumf %convert_element_type3A_1117, %max3A_1126 : vector<16xf32>
        %min3A_1128 = arith.constant 1.270000e+02 : f32
        %min3A_1129 = vector.broadcast %min3A_1128 : f32 to vector<16xf32>
        %min3A_1130 = arith.minimumf %max3A_1127, %min3A_1129 : vector<16xf32>
        %convert_element_type3A_1131 = arith.fptosi %min3A_1130 : vector<16xf32> to vector<16xi32>
        %add3A_1132 = arith.constant 1.000000e+00 : f32
        %add3A_1133 = vector.broadcast %add3A_1132 : f32 to vector<16xf32>
        %add3A_1134 = arith.addf %convert_element_type3A_1117, %add3A_1133 : vector<16xf32>
        %max3A_1135 = arith.constant 0.000000e+00 : f32
        %max3A_1136 = vector.broadcast %max3A_1135 : f32 to vector<16xf32>
        %max3A_1137 = arith.maximumf %add3A_1134, %max3A_1136 : vector<16xf32>
        %min3A_1138 = arith.constant 1.270000e+02 : f32
        %min3A_1139 = vector.broadcast %min3A_1138 : f32 to vector<16xf32>
        %min3A_1140 = arith.minimumf %max3A_1137, %min3A_1139 : vector<16xf32>
        %convert_element_type3A_1141 = arith.fptosi %min3A_1140 : vector<16xf32> to vector<16xi32>
        %mul3A_1142 = arith.constant 2304 : i32
        %mul3A_1143 = vector.broadcast %mul3A_1142 : i32 to vector<16xi32>
        %mul3A_1144 = arith.muli %convert_element_type3A_1071, %mul3A_1143 : vector<16xi32>
        %mul3A_1145 = arith.constant 2304 : i32
        %mul3A_1146 = vector.broadcast %mul3A_1145 : i32 to vector<16xi32>
        %mul3A_1147 = arith.muli %convert_element_type3A_1078, %mul3A_1146 : vector<16xi32>
        %mul3A_1148 = arith.constant 128 : i32
        %mul3A_1149 = vector.broadcast %mul3A_1148 : i32 to vector<16xi32>
        %mul3A_1150 = arith.muli %convert_element_type3A_1103, %mul3A_1149 : vector<16xi32>
        %mul3A_1151 = arith.constant 128 : i32
        %mul3A_1152 = vector.broadcast %mul3A_1151 : i32 to vector<16xi32>
        %mul3A_1153 = arith.muli %convert_element_type3A_1110, %mul3A_1152 : vector<16xi32>
        %add3A_1154 = arith.addi %mul3A_1144, %mul3A_1150 : vector<16xi32>
        %add3A_1155 = arith.addi %mul3A_1144, %mul3A_1153 : vector<16xi32>
        %add3A_1156 = arith.addi %mul3A_1147, %mul3A_1150 : vector<16xi32>
        %add3A_1157 = arith.addi %mul3A_1147, %mul3A_1153 : vector<16xi32>
        %sub3A_1158 = arith.constant 1.000000e+00 : f32
        %sub3A_1159 = vector.broadcast %sub3A_1158 : f32 to vector<16xf32>
        %sub3A_1160 = arith.subf %sub3A_1159, %min3A_1124 : vector<16xf32>
        %add3A_1161 = arith.addi %add3A_1154, %convert_element_type3A_1131 : vector<16xi32>
        %gather3A_1162 = tpu.vector_load_idx %arg6[%add3A_1161] : memref<41472xf32, #tpu.memory_space<vmem>>[vector<16xi32>], vector<16xf32>,
        %mul3A_1163 = arith.mulf %gather3A_1162, %min3A_1124 : vector<16xf32>
        %add3A_1164 = arith.addi %add3A_1154, %convert_element_type3A_1141 : vector<16xi32>
        %gather3A_1165 = tpu.vector_load_idx %arg6[%add3A_1164] : memref<41472xf32, #tpu.memory_space<vmem>>[vector<16xi32>], vector<16xf32>,
        %mul3A_1166 = arith.mulf %gather3A_1165, %sub3A_1160 : vector<16xf32>
        %add3A_1167 = arith.addf %mul3A_1163, %mul3A_1166 : vector<16xf32>
        %add3A_1168 = arith.addi %add3A_1155, %convert_element_type3A_1131 : vector<16xi32>
        %gather3A_1169 = tpu.vector_load_idx %arg6[%add3A_1168] : memref<41472xf32, #tpu.memory_space<vmem>>[vector<16xi32>], vector<16xf32>,
        %mul3A_1170 = arith.mulf %gather3A_1169, %min3A_1124 : vector<16xf32>
        %add3A_1171 = arith.addi %add3A_1155, %convert_element_type3A_1141 : vector<16xi32>
        %gather3A_1172 = tpu.vector_load_idx %arg6[%add3A_1171] : memref<41472xf32, #tpu.memory_space<vmem>>[vector<16xi32>], vector<16xf32>,
        %mul3A_1173 = arith.mulf %gather3A_1172, %sub3A_1160 : vector<16xf32>
        %add3A_1174 = arith.addf %mul3A_1170, %mul3A_1173 : vector<16xf32>
        %add3A_1175 = arith.addi %add3A_1156, %convert_element_type3A_1131 : vector<16xi32>
        %gather3A_1176 = tpu.vector_load_idx %arg6[%add3A_1175] : memref<41472xf32, #tpu.memory_space<vmem>>[vector<16xi32>], vector<16xf32>,
        %mul3A_1177 = arith.mulf %gather3A_1176, %min3A_1124 : vector<16xf32>
        %add3A_1178 = arith.addi %add3A_1156, %convert_element_type3A_1141 : vector<16xi32>
        %gather3A_1179 = tpu.vector_load_idx %arg6[%add3A_1178] : memref<41472xf32, #tpu.memory_space<vmem>>[vector<16xi32>], vector<16xf32>,
        %mul3A_1180 = arith.mulf %gather3A_1179, %sub3A_1160 : vector<16xf32>
        %add3A_1181 = arith.addf %mul3A_1177, %mul3A_1180 : vector<16xf32>
        %add3A_1182 = arith.addi %add3A_1157, %convert_element_type3A_1131 : vector<16xi32>
        %gather3A_1183 = tpu.vector_load_idx %arg6[%add3A_1182] : memref<41472xf32, #tpu.memory_space<vmem>>[vector<16xi32>], vector<16xf32>,
        %mul3A_1184 = arith.mulf %gather3A_1183, %min3A_1124 : vector<16xf32>
        %add3A_1185 = arith.addi %add3A_1157, %convert_element_type3A_1141 : vector<16xi32>
        %gather3A_1186 = tpu.vector_load_idx %arg6[%add3A_1185] : memref<41472xf32, #tpu.memory_space<vmem>>[vector<16xi32>], vector<16xf32>,
        %mul3A_1187 = arith.mulf %gather3A_1186, %sub3A_1160 : vector<16xf32>
        %add3A_1188 = arith.addf %mul3A_1184, %mul3A_1187 : vector<16xf32>
        %sub3A_1189 = arith.constant 1.000000e+00 : f32
        %sub3A_1190 = vector.broadcast %sub3A_1189 : f32 to vector<16xf32>
        %sub3A_1191 = arith.subf %sub3A_1190, %min3A_1060 : vector<16xf32>
        %sub3A_1192 = arith.constant 1.000000e+00 : f32
        %sub3A_1193 = vector.broadcast %sub3A_1192 : f32 to vector<16xf32>
        %sub3A_1194 = arith.subf %sub3A_1193, %min3A_1091 : vector<16xf32>
        %mul3A_1195 = arith.mulf %add3A_1167, %min3A_1091 : vector<16xf32>
        %mul3A_1196 = arith.mulf %add3A_1174, %sub3A_1194 : vector<16xf32>
        %add3A_1197 = arith.addf %mul3A_1195, %mul3A_1196 : vector<16xf32>
        %mul3A_1198 = arith.mulf %add3A_1197, %min3A_1060 : vector<16xf32>
        %mul3A_1199 = arith.mulf %add3A_1181, %min3A_1091 : vector<16xf32>
        %mul3A_1200 = arith.mulf %add3A_1188, %sub3A_1194 : vector<16xf32>
        %add3A_1201 = arith.addf %mul3A_1199, %mul3A_1200 : vector<16xf32>
        %mul3A_1202 = arith.mulf %add3A_1201, %sub3A_1191 : vector<16xf32>
        %add3A_1203 = arith.addf %mul3A_1198, %mul3A_1202 : vector<16xf32>
        %mul3A_1204 = arith.constant 8 : i32
        %mul3A_1205 = arith.muli %select_n3A_962, %mul3A_1204 : i32
        %add3A_1206 = arith.addi %mul3A_1205, %select_n3A_1002 : i32
        %mul3A_1207 = arith.constant 128 : i32
        %mul3A_1208 = arith.muli %add3A_1206, %mul3A_1207 : i32
        %add3A_1209 = arith.addi %mul3A_1208, %mul3A_1020 : i32
        %swap3A = arith.index_cast %add3A_1209 : i32 to index
        %swap3A_1210 = tpu.vector_load %arg8[%swap3A] {strides = array<i32>} : memref<8192xf32, #tpu.memory_space<vmem>>, vector<16xf32>,
        tpu.vector_store %arg8[%swap3A], %add3A_1203 {strides = array<i32>} : memref<8192xf32, #tpu.memory_space<vmem>>, vector<16xf32>,
        %or3A_1211 = arith.ori %or3A, %or3A_1115 : vector<16xi1>
        %reduce_or3A = arith.constant 1.000000e+00 : f32
        %reduce_or3A_1212 = arith.constant 0.000000e+00 : f32
        %reduce_or3A_1213 = vector.broadcast %reduce_or3A : f32 to vector<16xf32>
        %reduce_or3A_1214 = vector.broadcast %reduce_or3A_1212 : f32 to vector<16xf32>
        %reduce_or3A_1215 = arith.select %or3A_1211, %reduce_or3A_1213, %reduce_or3A_1214 : vector<16xi1>, vector<16xf32>
        %reduce_or3A_1216 = arith.constant true
        %reduce_or3A_1217 = vector.broadcast %reduce_or3A_1216 : i1 to vector<16xi1>
        %reduce_or3A_1218 = tpu.scan <max>, %reduce_or3A_1215 masked %reduce_or3A_1217 : vector<16xf32>, vector<16xi1> -> vector<16xf32>
        %reduce_or3A_1219 = vector.extract %reduce_or3A_1218[15] : f32 from vector<16xf32>
        %reduce_or3A_1220 = arith.constant 0.000000e+00 : f32
        %reduce_or3A_1221 = arith.cmpf ogt, %reduce_or3A_1219, %reduce_or3A_1220 : f32
        %convert_element_type3A_1222 = arith.extui %reduce_or3A_1221 : i1 to i32
        %cond3A = arith.constant 0 : i32
        %cond3A_1223 = arith.cmpi ne, %convert_element_type3A_1222, %cond3A : i32
        scf.if %cond3A_1223 {
          %max3A_1224 = arith.constant 0.000000e+00 : f32
          %max3A_1225 = vector.broadcast %max3A_1224 : f32 to vector<16xf32>
          %max3A_1226 = arith.maximumf %convert_element_type3A_1054, %max3A_1225 : vector<16xf32>
          %min3A_1227 = arith.constant 1.270000e+02 : f32
          %min3A_1228 = vector.broadcast %min3A_1227 : f32 to vector<16xf32>
          %min3A_1229 = arith.minimumf %max3A_1226, %min3A_1228 : vector<16xf32>
          %convert_element_type3A_1230 = arith.fptosi %min3A_1229 : vector<16xf32> to vector<16xi32>
          %add3A_1231 = arith.constant 1.000000e+00 : f32
          %add3A_1232 = vector.broadcast %add3A_1231 : f32 to vector<16xf32>
          %add3A_1233 = arith.addf %convert_element_type3A_1054, %add3A_1232 : vector<16xf32>
          %max3A_1234 = arith.constant 0.000000e+00 : f32
          %max3A_1235 = vector.broadcast %max3A_1234 : f32 to vector<16xf32>
          %max3A_1236 = arith.maximumf %add3A_1233, %max3A_1235 : vector<16xf32>
          %min3A_1237 = arith.constant 1.270000e+02 : f32
          %min3A_1238 = vector.broadcast %min3A_1237 : f32 to vector<16xf32>
          %min3A_1239 = arith.minimumf %max3A_1236, %min3A_1238 : vector<16xf32>
          %convert_element_type3A_1240 = arith.fptosi %min3A_1239 : vector<16xf32> to vector<16xi32>
          %max3A_1241 = arith.constant 0.000000e+00 : f32
          %max3A_1242 = vector.broadcast %max3A_1241 : f32 to vector<16xf32>
          %max3A_1243 = arith.maximumf %convert_element_type3A_1084, %max3A_1242 : vector<16xf32>
          %min3A_1244 = arith.constant 1.270000e+02 : f32
          %min3A_1245 = vector.broadcast %min3A_1244 : f32 to vector<16xf32>
          %min3A_1246 = arith.minimumf %max3A_1243, %min3A_1245 : vector<16xf32>
          %convert_element_type3A_1247 = arith.fptosi %min3A_1246 : vector<16xf32> to vector<16xi32>
          %add3A_1248 = arith.constant 1.000000e+00 : f32
          %add3A_1249 = vector.broadcast %add3A_1248 : f32 to vector<16xf32>
          %add3A_1250 = arith.addf %convert_element_type3A_1084, %add3A_1249 : vector<16xf32>
          %max3A_1251 = arith.constant 0.000000e+00 : f32
          %max3A_1252 = vector.broadcast %max3A_1251 : f32 to vector<16xf32>
          %max3A_1253 = arith.maximumf %add3A_1250, %max3A_1252 : vector<16xf32>
          %min3A_1254 = arith.constant 1.270000e+02 : f32
          %min3A_1255 = vector.broadcast %min3A_1254 : f32 to vector<16xf32>
          %min3A_1256 = arith.minimumf %max3A_1253, %min3A_1255 : vector<16xf32>
          %convert_element_type3A_1257 = arith.fptosi %min3A_1256 : vector<16xf32> to vector<16xi32>
          %mul3A_1258 = arith.constant 16384 : i32
          %mul3A_1259 = vector.broadcast %mul3A_1258 : i32 to vector<16xi32>
          %mul3A_1260 = arith.muli %convert_element_type3A_1230, %mul3A_1259 : vector<16xi32>
          %mul3A_1261 = arith.constant 16384 : i32
          %mul3A_1262 = vector.broadcast %mul3A_1261 : i32 to vector<16xi32>
          %mul3A_1263 = arith.muli %convert_element_type3A_1240, %mul3A_1262 : vector<16xi32>
          %mul3A_1264 = arith.constant 128 : i32
          %mul3A_1265 = vector.broadcast %mul3A_1264 : i32 to vector<16xi32>
          %mul3A_1266 = arith.muli %convert_element_type3A_1247, %mul3A_1265 : vector<16xi32>
          %mul3A_1267 = arith.constant 128 : i32
          %mul3A_1268 = vector.broadcast %mul3A_1267 : i32 to vector<16xi32>
          %mul3A_1269 = arith.muli %convert_element_type3A_1257, %mul3A_1268 : vector<16xi32>
          %add3A_1270 = vector.broadcast %mul3A_744 : i32 to vector<16xi32>
          %add3A_1271 = arith.addi %convert_element_type3A_1131, %add3A_1270 : vector<16xi32>
          %add3A_1272 = vector.broadcast %mul3A_744 : i32 to vector<16xi32>
          %add3A_1273 = arith.addi %convert_element_type3A_1141, %add3A_1272 : vector<16xi32>
          %add3A_1274 = arith.addi %mul3A_1260, %mul3A_1266 : vector<16xi32>
          %add3A_1275 = arith.addi %add3A_1274, %add3A_1271 : vector<16xi32>
          %add3A_1276 = arith.addi %mul3A_1260, %mul3A_1266 : vector<16xi32>
          %add3A_1277 = arith.addi %add3A_1276, %add3A_1273 : vector<16xi32>
          %add3A_1278 = arith.addi %mul3A_1260, %mul3A_1269 : vector<16xi32>
          %add3A_1279 = arith.addi %add3A_1278, %add3A_1271 : vector<16xi32>
          %add3A_1280 = arith.addi %mul3A_1260, %mul3A_1269 : vector<16xi32>
          %add3A_1281 = arith.addi %add3A_1280, %add3A_1273 : vector<16xi32>
          %add3A_1282 = arith.addi %mul3A_1263, %mul3A_1266 : vector<16xi32>
          %add3A_1283 = arith.addi %add3A_1282, %add3A_1271 : vector<16xi32>
          %add3A_1284 = arith.addi %mul3A_1263, %mul3A_1266 : vector<16xi32>
          %add3A_1285 = arith.addi %add3A_1284, %add3A_1273 : vector<16xi32>
          %add3A_1286 = arith.addi %mul3A_1263, %mul3A_1269 : vector<16xi32>
          %add3A_1287 = arith.addi %add3A_1286, %add3A_1271 : vector<16xi32>
          %add3A_1288 = arith.addi %mul3A_1263, %mul3A_1269 : vector<16xi32>
          %add3A_1289 = arith.addi %add3A_1288, %add3A_1273 : vector<16xi32>
          %shift_right_arithmetic3A = arith.constant 7 : i32
          %shift_right_arithmetic3A_1290 = vector.broadcast %shift_right_arithmetic3A : i32 to vector<16xi32>
          %shift_right_arithmetic3A_1291 = arith.shrsi %add3A_1275, %shift_right_arithmetic3A_1290 : vector<16xi32>
          %swap3A_1292 = arith.constant 0 : index
          %swap3A_1293 = tpu.vector_load %arg9[%swap3A_1292] {strides = array<i32>} : memref<128xi32, #tpu.memory_space<vmem>>, vector<16xi32>,
          tpu.vector_store %arg9[%swap3A_1292], %shift_right_arithmetic3A_1291 {strides = array<i32>} : memref<128xi32, #tpu.memory_space<vmem>>, vector<16xi32>,
          %and3A_1294 = arith.constant 127 : i32
          %and3A_1295 = vector.broadcast %and3A_1294 : i32 to vector<16xi32>
          %and3A_1296 = arith.andi %add3A_1275, %and3A_1295 : vector<16xi32>
          %shift_right_arithmetic3A_1297 = arith.constant 7 : i32
          %shift_right_arithmetic3A_1298 = vector.broadcast %shift_right_arithmetic3A_1297 : i32 to vector<16xi32>
          %shift_right_arithmetic3A_1299 = arith.shrsi %add3A_1277, %shift_right_arithmetic3A_1298 : vector<16xi32>
          %swap3A_1300 = arith.constant 16 : index
          %swap3A_1301 = tpu.vector_load %arg9[%swap3A_1300] {strides = array<i32>} : memref<128xi32, #tpu.memory_space<vmem>>, vector<16xi32>,
          tpu.vector_store %arg9[%swap3A_1300], %shift_right_arithmetic3A_1299 {strides = array<i32>} : memref<128xi32, #tpu.memory_space<vmem>>, vector<16xi32>,
          %and3A_1302 = arith.constant 127 : i32
          %and3A_1303 = vector.broadcast %and3A_1302 : i32 to vector<16xi32>
          %and3A_1304 = arith.andi %add3A_1277, %and3A_1303 : vector<16xi32>
          %shift_right_arithmetic3A_1305 = arith.constant 7 : i32
          %shift_right_arithmetic3A_1306 = vector.broadcast %shift_right_arithmetic3A_1305 : i32 to vector<16xi32>
          %shift_right_arithmetic3A_1307 = arith.shrsi %add3A_1279, %shift_right_arithmetic3A_1306 : vector<16xi32>
          %swap3A_1308 = arith.constant 32 : index
          %swap3A_1309 = tpu.vector_load %arg9[%swap3A_1308] {strides = array<i32>} : memref<128xi32, #tpu.memory_space<vmem>>, vector<16xi32>,
          tpu.vector_store %arg9[%swap3A_1308], %shift_right_arithmetic3A_1307 {strides = array<i32>} : memref<128xi32, #tpu.memory_space<vmem>>, vector<16xi32>,
          %and3A_1310 = arith.constant 127 : i32
          %and3A_1311 = vector.broadcast %and3A_1310 : i32 to vector<16xi32>
          %and3A_1312 = arith.andi %add3A_1279, %and3A_1311 : vector<16xi32>
          %shift_right_arithmetic3A_1313 = arith.constant 7 : i32
          %shift_right_arithmetic3A_1314 = vector.broadcast %shift_right_arithmetic3A_1313 : i32 to vector<16xi32>
          %shift_right_arithmetic3A_1315 = arith.shrsi %add3A_1281, %shift_right_arithmetic3A_1314 : vector<16xi32>
          %swap3A_1316 = arith.constant 48 : index
          %swap3A_1317 = tpu.vector_load %arg9[%swap3A_1316] {strides = array<i32>} : memref<128xi32, #tpu.memory_space<vmem>>, vector<16xi32>,
          tpu.vector_store %arg9[%swap3A_1316], %shift_right_arithmetic3A_1315 {strides = array<i32>} : memref<128xi32, #tpu.memory_space<vmem>>, vector<16xi32>,
          %and3A_1318 = arith.constant 127 : i32
          %and3A_1319 = vector.broadcast %and3A_1318 : i32 to vector<16xi32>
          %and3A_1320 = arith.andi %add3A_1281, %and3A_1319 : vector<16xi32>
          %shift_right_arithmetic3A_1321 = arith.constant 7 : i32
          %shift_right_arithmetic3A_1322 = vector.broadcast %shift_right_arithmetic3A_1321 : i32 to vector<16xi32>
          %shift_right_arithmetic3A_1323 = arith.shrsi %add3A_1283, %shift_right_arithmetic3A_1322 : vector<16xi32>
          %swap3A_1324 = arith.constant 64 : index
          %swap3A_1325 = tpu.vector_load %arg9[%swap3A_1324] {strides = array<i32>} : memref<128xi32, #tpu.memory_space<vmem>>, vector<16xi32>,
          tpu.vector_store %arg9[%swap3A_1324], %shift_right_arithmetic3A_1323 {strides = array<i32>} : memref<128xi32, #tpu.memory_space<vmem>>, vector<16xi32>,
          %and3A_1326 = arith.constant 127 : i32
          %and3A_1327 = vector.broadcast %and3A_1326 : i32 to vector<16xi32>
          %and3A_1328 = arith.andi %add3A_1283, %and3A_1327 : vector<16xi32>
          %shift_right_arithmetic3A_1329 = arith.constant 7 : i32
          %shift_right_arithmetic3A_1330 = vector.broadcast %shift_right_arithmetic3A_1329 : i32 to vector<16xi32>
          %shift_right_arithmetic3A_1331 = arith.shrsi %add3A_1285, %shift_right_arithmetic3A_1330 : vector<16xi32>
          %swap3A_1332 = arith.constant 80 : index
          %swap3A_1333 = tpu.vector_load %arg9[%swap3A_1332] {strides = array<i32>} : memref<128xi32, #tpu.memory_space<vmem>>, vector<16xi32>,
          tpu.vector_store %arg9[%swap3A_1332], %shift_right_arithmetic3A_1331 {strides = array<i32>} : memref<128xi32, #tpu.memory_space<vmem>>, vector<16xi32>,
          %and3A_1334 = arith.constant 127 : i32
          %and3A_1335 = vector.broadcast %and3A_1334 : i32 to vector<16xi32>
          %and3A_1336 = arith.andi %add3A_1285, %and3A_1335 : vector<16xi32>
          %shift_right_arithmetic3A_1337 = arith.constant 7 : i32
          %shift_right_arithmetic3A_1338 = vector.broadcast %shift_right_arithmetic3A_1337 : i32 to vector<16xi32>
          %shift_right_arithmetic3A_1339 = arith.shrsi %add3A_1287, %shift_right_arithmetic3A_1338 : vector<16xi32>
          %swap3A_1340 = arith.constant 96 : index
          %swap3A_1341 = tpu.vector_load %arg9[%swap3A_1340] {strides = array<i32>} : memref<128xi32, #tpu.memory_space<vmem>>, vector<16xi32>,
          tpu.vector_store %arg9[%swap3A_1340], %shift_right_arithmetic3A_1339 {strides = array<i32>} : memref<128xi32, #tpu.memory_space<vmem>>, vector<16xi32>,
          %and3A_1342 = arith.constant 127 : i32
          %and3A_1343 = vector.broadcast %and3A_1342 : i32 to vector<16xi32>
          %and3A_1344 = arith.andi %add3A_1287, %and3A_1343 : vector<16xi32>
          %shift_right_arithmetic3A_1345 = arith.constant 7 : i32
          %shift_right_arithmetic3A_1346 = vector.broadcast %shift_right_arithmetic3A_1345 : i32 to vector<16xi32>
          %shift_right_arithmetic3A_1347 = arith.shrsi %add3A_1289, %shift_right_arithmetic3A_1346 : vector<16xi32>
          %swap3A_1348 = arith.constant 112 : index
          %swap3A_1349 = tpu.vector_load %arg9[%swap3A_1348] {strides = array<i32>} : memref<128xi32, #tpu.memory_space<vmem>>, vector<16xi32>,
          tpu.vector_store %arg9[%swap3A_1348], %shift_right_arithmetic3A_1347 {strides = array<i32>} : memref<128xi32, #tpu.memory_space<vmem>>, vector<16xi32>,
          %and3A_1350 = arith.constant 127 : i32
          %and3A_1351 = vector.broadcast %and3A_1350 : i32 to vector<16xi32>
          %and3A_1352 = arith.andi %add3A_1289, %and3A_1351 : vector<16xi32>
          %dma_start3A_1353 = arith.constant 0 : i32
          %dma_start3A_1354 = arith.constant 0 : i32
          %dma_start3A_1355 = tpu.memref_slice %arg3[%dma_start3A_1353, %dma_start3A_1354] : memref<32768x128xf32, #tpu.memory_space<hbm>> -> memref<32768x128xf32, #tpu.memory_space<hbm>>
          tpu.enqueue_indirect_dma source(%dma_start3A_1355 : memref<32768x128xf32, #tpu.memory_space<hbm>>) target(%arg10 : memref<128x128xf32, #tpu.memory_space<vmem>>) offsets(%arg9 : memref<128xi32, #tpu.memory_space<vmem>>) semaphore(%arg13 : memref<!tpu.dma_semaphore, #tpu.memory_space<semaphore_mem>>)
          %dma_wait3A_1356 = arith.constant 0 : i32
          %dma_wait3A_1357 = arith.constant 0 : i32
          %dma_wait3A_1358 = tpu.memref_slice %arg3[%dma_wait3A_1356, %dma_wait3A_1357] : memref<32768x128xf32, #tpu.memory_space<hbm>> -> memref<32768x128xf32, #tpu.memory_space<hbm>>
          tpu.wait_indirect_dma semaphore(%arg13 : memref<!tpu.dma_semaphore, #tpu.memory_space<semaphore_mem>>) src(%dma_wait3A_1358 : memref<32768x128xf32, #tpu.memory_space<hbm>>) dst(%arg10 : memref<128x128xf32, #tpu.memory_space<vmem>>)
          %add3A_1359 = arith.constant 0 : i32
          %add3A_1360 = vector.broadcast %add3A_1359 : i32 to vector<16xi32>
          %add3A_1361 = arith.addi %add3A_1360, %iota3A : vector<16xi32>
          %gather3A_1362 = tpu.vector_load_idx %arg10[%add3A_1361, %and3A_1296] : memref<128x128xf32, #tpu.memory_space<vmem>>[vector<16xi32>, vector<16xi32>], vector<16xf32>,
          %add3A_1363 = arith.constant 16 : i32
          %add3A_1364 = vector.broadcast %add3A_1363 : i32 to vector<16xi32>
          %add3A_1365 = arith.addi %add3A_1364, %iota3A : vector<16xi32>
          %gather3A_1366 = tpu.vector_load_idx %arg10[%add3A_1365, %and3A_1304] : memref<128x128xf32, #tpu.memory_space<vmem>>[vector<16xi32>, vector<16xi32>], vector<16xf32>,
          %add3A_1367 = arith.constant 32 : i32
          %add3A_1368 = vector.broadcast %add3A_1367 : i32 to vector<16xi32>
          %add3A_1369 = arith.addi %add3A_1368, %iota3A : vector<16xi32>
          %gather3A_1370 = tpu.vector_load_idx %arg10[%add3A_1369, %and3A_1312] : memref<128x128xf32, #tpu.memory_space<vmem>>[vector<16xi32>, vector<16xi32>], vector<16xf32>,
          %add3A_1371 = arith.constant 48 : i32
          %add3A_1372 = vector.broadcast %add3A_1371 : i32 to vector<16xi32>
          %add3A_1373 = arith.addi %add3A_1372, %iota3A : vector<16xi32>
          %gather3A_1374 = tpu.vector_load_idx %arg10[%add3A_1373, %and3A_1320] : memref<128x128xf32, #tpu.memory_space<vmem>>[vector<16xi32>, vector<16xi32>], vector<16xf32>,
          %add3A_1375 = arith.constant 64 : i32
          %add3A_1376 = vector.broadcast %add3A_1375 : i32 to vector<16xi32>
          %add3A_1377 = arith.addi %add3A_1376, %iota3A : vector<16xi32>
          %gather3A_1378 = tpu.vector_load_idx %arg10[%add3A_1377, %and3A_1328] : memref<128x128xf32, #tpu.memory_space<vmem>>[vector<16xi32>, vector<16xi32>], vector<16xf32>,
          %add3A_1379 = arith.constant 80 : i32
          %add3A_1380 = vector.broadcast %add3A_1379 : i32 to vector<16xi32>
          %add3A_1381 = arith.addi %add3A_1380, %iota3A : vector<16xi32>
          %gather3A_1382 = tpu.vector_load_idx %arg10[%add3A_1381, %and3A_1336] : memref<128x128xf32, #tpu.memory_space<vmem>>[vector<16xi32>, vector<16xi32>], vector<16xf32>,
          %add3A_1383 = arith.constant 96 : i32
          %add3A_1384 = vector.broadcast %add3A_1383 : i32 to vector<16xi32>
          %add3A_1385 = arith.addi %add3A_1384, %iota3A : vector<16xi32>
          %gather3A_1386 = tpu.vector_load_idx %arg10[%add3A_1385, %and3A_1344] : memref<128x128xf32, #tpu.memory_space<vmem>>[vector<16xi32>, vector<16xi32>], vector<16xf32>,
          %add3A_1387 = arith.constant 112 : i32
          %add3A_1388 = vector.broadcast %add3A_1387 : i32 to vector<16xi32>
          %add3A_1389 = arith.addi %add3A_1388, %iota3A : vector<16xi32>
          %gather3A_1390 = tpu.vector_load_idx %arg10[%add3A_1389, %and3A_1352] : memref<128x128xf32, #tpu.memory_space<vmem>>[vector<16xi32>, vector<16xi32>], vector<16xf32>,
          %mul3A_1391 = arith.mulf %gather3A_1362, %min3A_1124 : vector<16xf32>
          %mul3A_1392 = arith.mulf %gather3A_1366, %sub3A_1160 : vector<16xf32>
          %add3A_1393 = arith.addf %mul3A_1391, %mul3A_1392 : vector<16xf32>
          %mul3A_1394 = arith.mulf %gather3A_1370, %min3A_1124 : vector<16xf32>
          %mul3A_1395 = arith.mulf %gather3A_1374, %sub3A_1160 : vector<16xf32>
          %add3A_1396 = arith.addf %mul3A_1394, %mul3A_1395 : vector<16xf32>
          %mul3A_1397 = arith.mulf %gather3A_1378, %min3A_1124 : vector<16xf32>
          %mul3A_1398 = arith.mulf %gather3A_1382, %sub3A_1160 : vector<16xf32>
          %add3A_1399 = arith.addf %mul3A_1397, %mul3A_1398 : vector<16xf32>
          %mul3A_1400 = arith.mulf %gather3A_1386, %min3A_1124 : vector<16xf32>
          %mul3A_1401 = arith.mulf %gather3A_1390, %sub3A_1160 : vector<16xf32>
          %add3A_1402 = arith.addf %mul3A_1400, %mul3A_1401 : vector<16xf32>
          %mul3A_1403 = arith.mulf %add3A_1393, %min3A_1091 : vector<16xf32>
          %mul3A_1404 = arith.mulf %add3A_1396, %sub3A_1194 : vector<16xf32>
          %add3A_1405 = arith.addf %mul3A_1403, %mul3A_1404 : vector<16xf32>
          %mul3A_1406 = arith.mulf %add3A_1405, %min3A_1060 : vector<16xf32>
          %mul3A_1407 = arith.mulf %add3A_1399, %min3A_1091 : vector<16xf32>
          %mul3A_1408 = arith.mulf %add3A_1402, %sub3A_1194 : vector<16xf32>
          %add3A_1409 = arith.addf %mul3A_1407, %mul3A_1408 : vector<16xf32>
          %mul3A_1410 = arith.mulf %add3A_1409, %sub3A_1191 : vector<16xf32>
          %add3A_1411 = arith.addf %mul3A_1406, %mul3A_1410 : vector<16xf32>
          %swap3A_1412 = arith.index_cast %add3A_1209 : i32 to index
          %swap3A_1413 = tpu.vector_load %arg8[%swap3A_1412] {strides = array<i32>} : memref<8192xf32, #tpu.memory_space<vmem>>, vector<16xf32>,
          tpu.vector_store %arg8[%swap3A_1412], %add3A_1411 {strides = array<i32>} : memref<8192xf32, #tpu.memory_space<vmem>>, vector<16xf32>,
        } else {
        }
      }
      %scan3A_749 = arith.constant 512 : i32
      %add3A_750 = arith.constant 0 : i32
      %add3A_751 = arith.addi %mul3A_71, %add3A_750 : i32
      %mul3A_752 = arith.constant 128 : i32
      %mul3A_753 = arith.muli %add3A_751, %mul3A_752 : i32
      %add3A_754 = arith.addi %mul3A_753, %mul3A_89 : i32
      %mul3A_755 = arith.constant 128 : i32
      %mul3A_756 = arith.muli %add3A_754, %mul3A_755 : i32
      %dma_start3A_757 = arith.constant 0 : i32
      %dma_start3A_758 = tpu.memref_slice %arg8[%dma_start3A_757] : memref<8192xf32, #tpu.memory_space<vmem>> -> memref<1024xf32, #tpu.memory_space<vmem>>
      %dma_start3A_759 = tpu.memref_slice %arg5[%select_n3A, %mul3A_756] : memref<2x2097152xf32, #tpu.memory_space<hbm>> -> memref<1x1024xf32, #tpu.memory_space<hbm>>
      %dma_start3A_760 = tpu.memref_squeeze %dma_start3A_759 : memref<1x1024xf32, #tpu.memory_space<hbm>> -> memref<1024xf32, #tpu.memory_space<hbm>>
      %dma_start3A_761 = tpu.memref_slice %arg5[%select_n3A, %mul3A_756] : memref<2x2097152xf32, #tpu.memory_space<hbm>> -> memref<1x1024xf32, #tpu.memory_space<hbm>>
      %dma_start3A_762 = tpu.memref_squeeze %dma_start3A_761 : memref<1x1024xf32, #tpu.memory_space<hbm>> -> memref<1024xf32, #tpu.memory_space<hbm>>
      %dma_start3A_763 = arith.constant 0 : i32
      %dma_start3A_764 = tpu.memref_slice %arg8[%dma_start3A_763] : memref<8192xf32, #tpu.memory_space<vmem>> -> memref<1024xf32, #tpu.memory_space<vmem>>
      tpu.enqueue_dma source(%dma_start3A_764 : memref<1024xf32, #tpu.memory_space<vmem>>) target(%dma_start3A_762 : memref<1024xf32, #tpu.memory_space<hbm>>) target_semaphore(%arg12 : memref<!tpu.dma_semaphore, #tpu.memory_space<semaphore_mem>>)
      %add3A_765 = arith.constant 1 : i32
      %add3A_766 = arith.addi %mul3A_71, %add3A_765 : i32
      %mul3A_767 = arith.constant 128 : i32
      %mul3A_768 = arith.muli %add3A_766, %mul3A_767 : i32
      %add3A_769 = arith.addi %mul3A_768, %mul3A_89 : i32
      %mul3A_770 = arith.constant 128 : i32
      %mul3A_771 = arith.muli %add3A_769, %mul3A_770 : i32
      %dma_start3A_772 = arith.constant 1024 : i32
      %dma_start3A_773 = tpu.memref_slice %arg8[%dma_start3A_772] : memref<8192xf32, #tpu.memory_space<vmem>> -> memref<1024xf32, #tpu.memory_space<vmem>>
      %dma_start3A_774 = tpu.memref_slice %arg5[%select_n3A, %mul3A_771] : memref<2x2097152xf32, #tpu.memory_space<hbm>> -> memref<1x1024xf32, #tpu.memory_space<hbm>>
      %dma_start3A_775 = tpu.memref_squeeze %dma_start3A_774 : memref<1x1024xf32, #tpu.memory_space<hbm>> -> memref<1024xf32, #tpu.memory_space<hbm>>
      %dma_start3A_776 = tpu.memref_slice %arg5[%select_n3A, %mul3A_771] : memref<2x2097152xf32, #tpu.memory_space<hbm>> -> memref<1x1024xf32, #tpu.memory_space<hbm>>
      %dma_start3A_777 = tpu.memref_squeeze %dma_start3A_776 : memref<1x1024xf32, #tpu.memory_space<hbm>> -> memref<1024xf32, #tpu.memory_space<hbm>>
      %dma_start3A_778 = arith.constant 1024 : i32
      %dma_start3A_779 = tpu.memref_slice %arg8[%dma_start3A_778] : memref<8192xf32, #tpu.memory_space<vmem>> -> memref<1024xf32, #tpu.memory_space<vmem>>
      tpu.enqueue_dma source(%dma_start3A_779 : memref<1024xf32, #tpu.memory_space<vmem>>) target(%dma_start3A_777 : memref<1024xf32, #tpu.memory_space<hbm>>) target_semaphore(%arg12 : memref<!tpu.dma_semaphore, #tpu.memory_space<semaphore_mem>>)
      %add3A_780 = arith.constant 2 : i32
      %add3A_781 = arith.addi %mul3A_71, %add3A_780 : i32
      %mul3A_782 = arith.constant 128 : i32
      %mul3A_783 = arith.muli %add3A_781, %mul3A_782 : i32
      %add3A_784 = arith.addi %mul3A_783, %mul3A_89 : i32
      %mul3A_785 = arith.constant 128 : i32
      %mul3A_786 = arith.muli %add3A_784, %mul3A_785 : i32
      %dma_start3A_787 = arith.constant 2048 : i32
      %dma_start3A_788 = tpu.memref_slice %arg8[%dma_start3A_787] : memref<8192xf32, #tpu.memory_space<vmem>> -> memref<1024xf32, #tpu.memory_space<vmem>>
      %dma_start3A_789 = tpu.memref_slice %arg5[%select_n3A, %mul3A_786] : memref<2x2097152xf32, #tpu.memory_space<hbm>> -> memref<1x1024xf32, #tpu.memory_space<hbm>>
      %dma_start3A_790 = tpu.memref_squeeze %dma_start3A_789 : memref<1x1024xf32, #tpu.memory_space<hbm>> -> memref<1024xf32, #tpu.memory_space<hbm>>
      %dma_start3A_791 = tpu.memref_slice %arg5[%select_n3A, %mul3A_786] : memref<2x2097152xf32, #tpu.memory_space<hbm>> -> memref<1x1024xf32, #tpu.memory_space<hbm>>
      %dma_start3A_792 = tpu.memref_squeeze %dma_start3A_791 : memref<1x1024xf32, #tpu.memory_space<hbm>> -> memref<1024xf32, #tpu.memory_space<hbm>>
      %dma_start3A_793 = arith.constant 2048 : i32
      %dma_start3A_794 = tpu.memref_slice %arg8[%dma_start3A_793] : memref<8192xf32, #tpu.memory_space<vmem>> -> memref<1024xf32, #tpu.memory_space<vmem>>
      tpu.enqueue_dma source(%dma_start3A_794 : memref<1024xf32, #tpu.memory_space<vmem>>) target(%dma_start3A_792 : memref<1024xf32, #tpu.memory_space<hbm>>) target_semaphore(%arg12 : memref<!tpu.dma_semaphore, #tpu.memory_space<semaphore_mem>>)
      %add3A_795 = arith.constant 3 : i32
      %add3A_796 = arith.addi %mul3A_71, %add3A_795 : i32
      %mul3A_797 = arith.constant 128 : i32
      %mul3A_798 = arith.muli %add3A_796, %mul3A_797 : i32
      %add3A_799 = arith.addi %mul3A_798, %mul3A_89 : i32
      %mul3A_800 = arith.constant 128 : i32
      %mul3A_801 = arith.muli %add3A_799, %mul3A_800 : i32
      %dma_start3A_802 = arith.constant 3072 : i32
      %dma_start3A_803 = tpu.memref_slice %arg8[%dma_start3A_802] : memref<8192xf32, #tpu.memory_space<vmem>> -> memref<1024xf32, #tpu.memory_space<vmem>>
      %dma_start3A_804 = tpu.memref_slice %arg5[%select_n3A, %mul3A_801] : memref<2x2097152xf32, #tpu.memory_space<hbm>> -> memref<1x1024xf32, #tpu.memory_space<hbm>>
      %dma_start3A_805 = tpu.memref_squeeze %dma_start3A_804 : memref<1x1024xf32, #tpu.memory_space<hbm>> -> memref<1024xf32, #tpu.memory_space<hbm>>
      %dma_start3A_806 = tpu.memref_slice %arg5[%select_n3A, %mul3A_801] : memref<2x2097152xf32, #tpu.memory_space<hbm>> -> memref<1x1024xf32, #tpu.memory_space<hbm>>
      %dma_start3A_807 = tpu.memref_squeeze %dma_start3A_806 : memref<1x1024xf32, #tpu.memory_space<hbm>> -> memref<1024xf32, #tpu.memory_space<hbm>>
      %dma_start3A_808 = arith.constant 3072 : i32
      %dma_start3A_809 = tpu.memref_slice %arg8[%dma_start3A_808] : memref<8192xf32, #tpu.memory_space<vmem>> -> memref<1024xf32, #tpu.memory_space<vmem>>
      tpu.enqueue_dma source(%dma_start3A_809 : memref<1024xf32, #tpu.memory_space<vmem>>) target(%dma_start3A_807 : memref<1024xf32, #tpu.memory_space<hbm>>) target_semaphore(%arg12 : memref<!tpu.dma_semaphore, #tpu.memory_space<semaphore_mem>>)
      %add3A_810 = arith.constant 4 : i32
      %add3A_811 = arith.addi %mul3A_71, %add3A_810 : i32
      %mul3A_812 = arith.constant 128 : i32
      %mul3A_813 = arith.muli %add3A_811, %mul3A_812 : i32
      %add3A_814 = arith.addi %mul3A_813, %mul3A_89 : i32
      %mul3A_815 = arith.constant 128 : i32
      %mul3A_816 = arith.muli %add3A_814, %mul3A_815 : i32
      %dma_start3A_817 = arith.constant 4096 : i32
      %dma_start3A_818 = tpu.memref_slice %arg8[%dma_start3A_817] : memref<8192xf32, #tpu.memory_space<vmem>> -> memref<1024xf32, #tpu.memory_space<vmem>>
      %dma_start3A_819 = tpu.memref_slice %arg5[%select_n3A, %mul3A_816] : memref<2x2097152xf32, #tpu.memory_space<hbm>> -> memref<1x1024xf32, #tpu.memory_space<hbm>>
      %dma_start3A_820 = tpu.memref_squeeze %dma_start3A_819 : memref<1x1024xf32, #tpu.memory_space<hbm>> -> memref<1024xf32, #tpu.memory_space<hbm>>
      %dma_start3A_821 = tpu.memref_slice %arg5[%select_n3A, %mul3A_816] : memref<2x2097152xf32, #tpu.memory_space<hbm>> -> memref<1x1024xf32, #tpu.memory_space<hbm>>
      %dma_start3A_822 = tpu.memref_squeeze %dma_start3A_821 : memref<1x1024xf32, #tpu.memory_space<hbm>> -> memref<1024xf32, #tpu.memory_space<hbm>>
      %dma_start3A_823 = arith.constant 4096 : i32
      %dma_start3A_824 = tpu.memref_slice %arg8[%dma_start3A_823] : memref<8192xf32, #tpu.memory_space<vmem>> -> memref<1024xf32, #tpu.memory_space<vmem>>
      tpu.enqueue_dma source(%dma_start3A_824 : memref<1024xf32, #tpu.memory_space<vmem>>) target(%dma_start3A_822 : memref<1024xf32, #tpu.memory_space<hbm>>) target_semaphore(%arg12 : memref<!tpu.dma_semaphore, #tpu.memory_space<semaphore_mem>>)
      %add3A_825 = arith.constant 5 : i32
      %add3A_826 = arith.addi %mul3A_71, %add3A_825 : i32
      %mul3A_827 = arith.constant 128 : i32
      %mul3A_828 = arith.muli %add3A_826, %mul3A_827 : i32
      %add3A_829 = arith.addi %mul3A_828, %mul3A_89 : i32
      %mul3A_830 = arith.constant 128 : i32
      %mul3A_831 = arith.muli %add3A_829, %mul3A_830 : i32
      %dma_start3A_832 = arith.constant 5120 : i32
      %dma_start3A_833 = tpu.memref_slice %arg8[%dma_start3A_832] : memref<8192xf32, #tpu.memory_space<vmem>> -> memref<1024xf32, #tpu.memory_space<vmem>>
      %dma_start3A_834 = tpu.memref_slice %arg5[%select_n3A, %mul3A_831] : memref<2x2097152xf32, #tpu.memory_space<hbm>> -> memref<1x1024xf32, #tpu.memory_space<hbm>>
      %dma_start3A_835 = tpu.memref_squeeze %dma_start3A_834 : memref<1x1024xf32, #tpu.memory_space<hbm>> -> memref<1024xf32, #tpu.memory_space<hbm>>
      %dma_start3A_836 = tpu.memref_slice %arg5[%select_n3A, %mul3A_831] : memref<2x2097152xf32, #tpu.memory_space<hbm>> -> memref<1x1024xf32, #tpu.memory_space<hbm>>
      %dma_start3A_837 = tpu.memref_squeeze %dma_start3A_836 : memref<1x1024xf32, #tpu.memory_space<hbm>> -> memref<1024xf32, #tpu.memory_space<hbm>>
      %dma_start3A_838 = arith.constant 5120 : i32
      %dma_start3A_839 = tpu.memref_slice %arg8[%dma_start3A_838] : memref<8192xf32, #tpu.memory_space<vmem>> -> memref<1024xf32, #tpu.memory_space<vmem>>
      tpu.enqueue_dma source(%dma_start3A_839 : memref<1024xf32, #tpu.memory_space<vmem>>) target(%dma_start3A_837 : memref<1024xf32, #tpu.memory_space<hbm>>) target_semaphore(%arg12 : memref<!tpu.dma_semaphore, #tpu.memory_space<semaphore_mem>>)
      %add3A_840 = arith.constant 6 : i32
      %add3A_841 = arith.addi %mul3A_71, %add3A_840 : i32
      %mul3A_842 = arith.constant 128 : i32
      %mul3A_843 = arith.muli %add3A_841, %mul3A_842 : i32
      %add3A_844 = arith.addi %mul3A_843, %mul3A_89 : i32
      %mul3A_845 = arith.constant 128 : i32
      %mul3A_846 = arith.muli %add3A_844, %mul3A_845 : i32
      %dma_start3A_847 = arith.constant 6144 : i32
      %dma_start3A_848 = tpu.memref_slice %arg8[%dma_start3A_847] : memref<8192xf32, #tpu.memory_space<vmem>> -> memref<1024xf32, #tpu.memory_space<vmem>>
      %dma_start3A_849 = tpu.memref_slice %arg5[%select_n3A, %mul3A_846] : memref<2x2097152xf32, #tpu.memory_space<hbm>> -> memref<1x1024xf32, #tpu.memory_space<hbm>>
      %dma_start3A_850 = tpu.memref_squeeze %dma_start3A_849 : memref<1x1024xf32, #tpu.memory_space<hbm>> -> memref<1024xf32, #tpu.memory_space<hbm>>
      %dma_start3A_851 = tpu.memref_slice %arg5[%select_n3A, %mul3A_846] : memref<2x2097152xf32, #tpu.memory_space<hbm>> -> memref<1x1024xf32, #tpu.memory_space<hbm>>
      %dma_start3A_852 = tpu.memref_squeeze %dma_start3A_851 : memref<1x1024xf32, #tpu.memory_space<hbm>> -> memref<1024xf32, #tpu.memory_space<hbm>>
      %dma_start3A_853 = arith.constant 6144 : i32
      %dma_start3A_854 = tpu.memref_slice %arg8[%dma_start3A_853] : memref<8192xf32, #tpu.memory_space<vmem>> -> memref<1024xf32, #tpu.memory_space<vmem>>
      tpu.enqueue_dma source(%dma_start3A_854 : memref<1024xf32, #tpu.memory_space<vmem>>) target(%dma_start3A_852 : memref<1024xf32, #tpu.memory_space<hbm>>) target_semaphore(%arg12 : memref<!tpu.dma_semaphore, #tpu.memory_space<semaphore_mem>>)
      %add3A_855 = arith.constant 7 : i32
      %add3A_856 = arith.addi %mul3A_71, %add3A_855 : i32
      %mul3A_857 = arith.constant 128 : i32
      %mul3A_858 = arith.muli %add3A_856, %mul3A_857 : i32
      %add3A_859 = arith.addi %mul3A_858, %mul3A_89 : i32
      %mul3A_860 = arith.constant 128 : i32
      %mul3A_861 = arith.muli %add3A_859, %mul3A_860 : i32
      %dma_start3A_862 = arith.constant 7168 : i32
      %dma_start3A_863 = tpu.memref_slice %arg8[%dma_start3A_862] : memref<8192xf32, #tpu.memory_space<vmem>> -> memref<1024xf32, #tpu.memory_space<vmem>>
      %dma_start3A_864 = tpu.memref_slice %arg5[%select_n3A, %mul3A_861] : memref<2x2097152xf32, #tpu.memory_space<hbm>> -> memref<1x1024xf32, #tpu.memory_space<hbm>>
      %dma_start3A_865 = tpu.memref_squeeze %dma_start3A_864 : memref<1x1024xf32, #tpu.memory_space<hbm>> -> memref<1024xf32, #tpu.memory_space<hbm>>
      %dma_start3A_866 = tpu.memref_slice %arg5[%select_n3A, %mul3A_861] : memref<2x2097152xf32, #tpu.memory_space<hbm>> -> memref<1x1024xf32, #tpu.memory_space<hbm>>
      %dma_start3A_867 = tpu.memref_squeeze %dma_start3A_866 : memref<1x1024xf32, #tpu.memory_space<hbm>> -> memref<1024xf32, #tpu.memory_space<hbm>>
      %dma_start3A_868 = arith.constant 7168 : i32
      %dma_start3A_869 = tpu.memref_slice %arg8[%dma_start3A_868] : memref<8192xf32, #tpu.memory_space<vmem>> -> memref<1024xf32, #tpu.memory_space<vmem>>
      tpu.enqueue_dma source(%dma_start3A_869 : memref<1024xf32, #tpu.memory_space<vmem>>) target(%dma_start3A_867 : memref<1024xf32, #tpu.memory_space<hbm>>) target_semaphore(%arg12 : memref<!tpu.dma_semaphore, #tpu.memory_space<semaphore_mem>>)
      %dma_wait3A_870 = arith.constant 0 : i32
      %dma_wait3A_871 = tpu.memref_slice %arg8[%dma_wait3A_870] : memref<8192xf32, #tpu.memory_space<vmem>> -> memref<1024xf32, #tpu.memory_space<vmem>>
      %dma_wait3A_872 = tpu.memref_slice %arg5[%select_n3A, %mul3A_756] : memref<2x2097152xf32, #tpu.memory_space<hbm>> -> memref<1x1024xf32, #tpu.memory_space<hbm>>
      %dma_wait3A_873 = tpu.memref_squeeze %dma_wait3A_872 : memref<1x1024xf32, #tpu.memory_space<hbm>> -> memref<1024xf32, #tpu.memory_space<hbm>>
      %dma_wait3A_874 = tpu.memref_slice %arg5[%select_n3A, %mul3A_756] : memref<2x2097152xf32, #tpu.memory_space<hbm>> -> memref<1x1024xf32, #tpu.memory_space<hbm>>
      %dma_wait3A_875 = tpu.memref_squeeze %dma_wait3A_874 : memref<1x1024xf32, #tpu.memory_space<hbm>> -> memref<1024xf32, #tpu.memory_space<hbm>>
      %dma_wait3A_876 = arith.constant 0 : i32
      %dma_wait3A_877 = tpu.memref_slice %arg8[%dma_wait3A_876] : memref<8192xf32, #tpu.memory_space<vmem>> -> memref<1024xf32, #tpu.memory_space<vmem>>
      tpu.wait_dma2 semaphore(%arg12 : memref<!tpu.dma_semaphore, #tpu.memory_space<semaphore_mem>>) src(%dma_wait3A_877 : memref<1024xf32, #tpu.memory_space<vmem>>) dst(%dma_wait3A_875 : memref<1024xf32, #tpu.memory_space<hbm>>)
      %dma_wait3A_878 = arith.constant 1024 : i32
      %dma_wait3A_879 = tpu.memref_slice %arg8[%dma_wait3A_878] : memref<8192xf32, #tpu.memory_space<vmem>> -> memref<1024xf32, #tpu.memory_space<vmem>>
      %dma_wait3A_880 = tpu.memref_slice %arg5[%select_n3A, %mul3A_771] : memref<2x2097152xf32, #tpu.memory_space<hbm>> -> memref<1x1024xf32, #tpu.memory_space<hbm>>
      %dma_wait3A_881 = tpu.memref_squeeze %dma_wait3A_880 : memref<1x1024xf32, #tpu.memory_space<hbm>> -> memref<1024xf32, #tpu.memory_space<hbm>>
      %dma_wait3A_882 = tpu.memref_slice %arg5[%select_n3A, %mul3A_771] : memref<2x2097152xf32, #tpu.memory_space<hbm>> -> memref<1x1024xf32, #tpu.memory_space<hbm>>
      %dma_wait3A_883 = tpu.memref_squeeze %dma_wait3A_882 : memref<1x1024xf32, #tpu.memory_space<hbm>> -> memref<1024xf32, #tpu.memory_space<hbm>>
      %dma_wait3A_884 = arith.constant 1024 : i32
      %dma_wait3A_885 = tpu.memref_slice %arg8[%dma_wait3A_884] : memref<8192xf32, #tpu.memory_space<vmem>> -> memref<1024xf32, #tpu.memory_space<vmem>>
      tpu.wait_dma2 semaphore(%arg12 : memref<!tpu.dma_semaphore, #tpu.memory_space<semaphore_mem>>) src(%dma_wait3A_885 : memref<1024xf32, #tpu.memory_space<vmem>>) dst(%dma_wait3A_883 : memref<1024xf32, #tpu.memory_space<hbm>>)
      %dma_wait3A_886 = arith.constant 2048 : i32
      %dma_wait3A_887 = tpu.memref_slice %arg8[%dma_wait3A_886] : memref<8192xf32, #tpu.memory_space<vmem>> -> memref<1024xf32, #tpu.memory_space<vmem>>
      %dma_wait3A_888 = tpu.memref_slice %arg5[%select_n3A, %mul3A_786] : memref<2x2097152xf32, #tpu.memory_space<hbm>> -> memref<1x1024xf32, #tpu.memory_space<hbm>>
      %dma_wait3A_889 = tpu.memref_squeeze %dma_wait3A_888 : memref<1x1024xf32, #tpu.memory_space<hbm>> -> memref<1024xf32, #tpu.memory_space<hbm>>
      %dma_wait3A_890 = tpu.memref_slice %arg5[%select_n3A, %mul3A_786] : memref<2x2097152xf32, #tpu.memory_space<hbm>> -> memref<1x1024xf32, #tpu.memory_space<hbm>>
      %dma_wait3A_891 = tpu.memref_squeeze %dma_wait3A_890 : memref<1x1024xf32, #tpu.memory_space<hbm>> -> memref<1024xf32, #tpu.memory_space<hbm>>
      %dma_wait3A_892 = arith.constant 2048 : i32
      %dma_wait3A_893 = tpu.memref_slice %arg8[%dma_wait3A_892] : memref<8192xf32, #tpu.memory_space<vmem>> -> memref<1024xf32, #tpu.memory_space<vmem>>
      tpu.wait_dma2 semaphore(%arg12 : memref<!tpu.dma_semaphore, #tpu.memory_space<semaphore_mem>>) src(%dma_wait3A_893 : memref<1024xf32, #tpu.memory_space<vmem>>) dst(%dma_wait3A_891 : memref<1024xf32, #tpu.memory_space<hbm>>)
      %dma_wait3A_894 = arith.constant 3072 : i32
      %dma_wait3A_895 = tpu.memref_slice %arg8[%dma_wait3A_894] : memref<8192xf32, #tpu.memory_space<vmem>> -> memref<1024xf32, #tpu.memory_space<vmem>>
      %dma_wait3A_896 = tpu.memref_slice %arg5[%select_n3A, %mul3A_801] : memref<2x2097152xf32, #tpu.memory_space<hbm>> -> memref<1x1024xf32, #tpu.memory_space<hbm>>
      %dma_wait3A_897 = tpu.memref_squeeze %dma_wait3A_896 : memref<1x1024xf32, #tpu.memory_space<hbm>> -> memref<1024xf32, #tpu.memory_space<hbm>>
      %dma_wait3A_898 = tpu.memref_slice %arg5[%select_n3A, %mul3A_801] : memref<2x2097152xf32, #tpu.memory_space<hbm>> -> memref<1x1024xf32, #tpu.memory_space<hbm>>
      %dma_wait3A_899 = tpu.memref_squeeze %dma_wait3A_898 : memref<1x1024xf32, #tpu.memory_space<hbm>> -> memref<1024xf32, #tpu.memory_space<hbm>>
      %dma_wait3A_900 = arith.constant 3072 : i32
      %dma_wait3A_901 = tpu.memref_slice %arg8[%dma_wait3A_900] : memref<8192xf32, #tpu.memory_space<vmem>> -> memref<1024xf32, #tpu.memory_space<vmem>>
      tpu.wait_dma2 semaphore(%arg12 : memref<!tpu.dma_semaphore, #tpu.memory_space<semaphore_mem>>) src(%dma_wait3A_901 : memref<1024xf32, #tpu.memory_space<vmem>>) dst(%dma_wait3A_899 : memref<1024xf32, #tpu.memory_space<hbm>>)
      %dma_wait3A_902 = arith.constant 4096 : i32
      %dma_wait3A_903 = tpu.memref_slice %arg8[%dma_wait3A_902] : memref<8192xf32, #tpu.memory_space<vmem>> -> memref<1024xf32, #tpu.memory_space<vmem>>
      %dma_wait3A_904 = tpu.memref_slice %arg5[%select_n3A, %mul3A_816] : memref<2x2097152xf32, #tpu.memory_space<hbm>> -> memref<1x1024xf32, #tpu.memory_space<hbm>>
      %dma_wait3A_905 = tpu.memref_squeeze %dma_wait3A_904 : memref<1x1024xf32, #tpu.memory_space<hbm>> -> memref<1024xf32, #tpu.memory_space<hbm>>
      %dma_wait3A_906 = tpu.memref_slice %arg5[%select_n3A, %mul3A_816] : memref<2x2097152xf32, #tpu.memory_space<hbm>> -> memref<1x1024xf32, #tpu.memory_space<hbm>>
      %dma_wait3A_907 = tpu.memref_squeeze %dma_wait3A_906 : memref<1x1024xf32, #tpu.memory_space<hbm>> -> memref<1024xf32, #tpu.memory_space<hbm>>
      %dma_wait3A_908 = arith.constant 4096 : i32
      %dma_wait3A_909 = tpu.memref_slice %arg8[%dma_wait3A_908] : memref<8192xf32, #tpu.memory_space<vmem>> -> memref<1024xf32, #tpu.memory_space<vmem>>
      tpu.wait_dma2 semaphore(%arg12 : memref<!tpu.dma_semaphore, #tpu.memory_space<semaphore_mem>>) src(%dma_wait3A_909 : memref<1024xf32, #tpu.memory_space<vmem>>) dst(%dma_wait3A_907 : memref<1024xf32, #tpu.memory_space<hbm>>)
      %dma_wait3A_910 = arith.constant 5120 : i32
      %dma_wait3A_911 = tpu.memref_slice %arg8[%dma_wait3A_910] : memref<8192xf32, #tpu.memory_space<vmem>> -> memref<1024xf32, #tpu.memory_space<vmem>>
      %dma_wait3A_912 = tpu.memref_slice %arg5[%select_n3A, %mul3A_831] : memref<2x2097152xf32, #tpu.memory_space<hbm>> -> memref<1x1024xf32, #tpu.memory_space<hbm>>
      %dma_wait3A_913 = tpu.memref_squeeze %dma_wait3A_912 : memref<1x1024xf32, #tpu.memory_space<hbm>> -> memref<1024xf32, #tpu.memory_space<hbm>>
      %dma_wait3A_914 = tpu.memref_slice %arg5[%select_n3A, %mul3A_831] : memref<2x2097152xf32, #tpu.memory_space<hbm>> -> memref<1x1024xf32, #tpu.memory_space<hbm>>
      %dma_wait3A_915 = tpu.memref_squeeze %dma_wait3A_914 : memref<1x1024xf32, #tpu.memory_space<hbm>> -> memref<1024xf32, #tpu.memory_space<hbm>>
      %dma_wait3A_916 = arith.constant 5120 : i32
      %dma_wait3A_917 = tpu.memref_slice %arg8[%dma_wait3A_916] : memref<8192xf32, #tpu.memory_space<vmem>> -> memref<1024xf32, #tpu.memory_space<vmem>>
      tpu.wait_dma2 semaphore(%arg12 : memref<!tpu.dma_semaphore, #tpu.memory_space<semaphore_mem>>) src(%dma_wait3A_917 : memref<1024xf32, #tpu.memory_space<vmem>>) dst(%dma_wait3A_915 : memref<1024xf32, #tpu.memory_space<hbm>>)
      %dma_wait3A_918 = arith.constant 6144 : i32
      %dma_wait3A_919 = tpu.memref_slice %arg8[%dma_wait3A_918] : memref<8192xf32, #tpu.memory_space<vmem>> -> memref<1024xf32, #tpu.memory_space<vmem>>
      %dma_wait3A_920 = tpu.memref_slice %arg5[%select_n3A, %mul3A_846] : memref<2x2097152xf32, #tpu.memory_space<hbm>> -> memref<1x1024xf32, #tpu.memory_space<hbm>>
      %dma_wait3A_921 = tpu.memref_squeeze %dma_wait3A_920 : memref<1x1024xf32, #tpu.memory_space<hbm>> -> memref<1024xf32, #tpu.memory_space<hbm>>
      %dma_wait3A_922 = tpu.memref_slice %arg5[%select_n3A, %mul3A_846] : memref<2x2097152xf32, #tpu.memory_space<hbm>> -> memref<1x1024xf32, #tpu.memory_space<hbm>>
      %dma_wait3A_923 = tpu.memref_squeeze %dma_wait3A_922 : memref<1x1024xf32, #tpu.memory_space<hbm>> -> memref<1024xf32, #tpu.memory_space<hbm>>
      %dma_wait3A_924 = arith.constant 6144 : i32
      %dma_wait3A_925 = tpu.memref_slice %arg8[%dma_wait3A_924] : memref<8192xf32, #tpu.memory_space<vmem>> -> memref<1024xf32, #tpu.memory_space<vmem>>
      tpu.wait_dma2 semaphore(%arg12 : memref<!tpu.dma_semaphore, #tpu.memory_space<semaphore_mem>>) src(%dma_wait3A_925 : memref<1024xf32, #tpu.memory_space<vmem>>) dst(%dma_wait3A_923 : memref<1024xf32, #tpu.memory_space<hbm>>)
      %dma_wait3A_926 = arith.constant 7168 : i32
      %dma_wait3A_927 = tpu.memref_slice %arg8[%dma_wait3A_926] : memref<8192xf32, #tpu.memory_space<vmem>> -> memref<1024xf32, #tpu.memory_space<vmem>>
      %dma_wait3A_928 = tpu.memref_slice %arg5[%select_n3A, %mul3A_861] : memref<2x2097152xf32, #tpu.memory_space<hbm>> -> memref<1x1024xf32, #tpu.memory_space<hbm>>
      %dma_wait3A_929 = tpu.memref_squeeze %dma_wait3A_928 : memref<1x1024xf32, #tpu.memory_space<hbm>> -> memref<1024xf32, #tpu.memory_space<hbm>>
      %dma_wait3A_930 = tpu.memref_slice %arg5[%select_n3A, %mul3A_861] : memref<2x2097152xf32, #tpu.memory_space<hbm>> -> memref<1x1024xf32, #tpu.memory_space<hbm>>
      %dma_wait3A_931 = tpu.memref_squeeze %dma_wait3A_930 : memref<1x1024xf32, #tpu.memory_space<hbm>> -> memref<1024xf32, #tpu.memory_space<hbm>>
      %dma_wait3A_932 = arith.constant 7168 : i32
      %dma_wait3A_933 = tpu.memref_slice %arg8[%dma_wait3A_932] : memref<8192xf32, #tpu.memory_space<vmem>> -> memref<1024xf32, #tpu.memory_space<vmem>>
      tpu.wait_dma2 semaphore(%arg12 : memref<!tpu.dma_semaphore, #tpu.memory_space<semaphore_mem>>) src(%dma_wait3A_933 : memref<1024xf32, #tpu.memory_space<vmem>>) dst(%dma_wait3A_931 : memref<1024xf32, #tpu.memory_space<hbm>>)
    }
    %scan3A_7 = arith.constant 16 : i32
    return
  }
}

</mosaic_0001>

<sc_bundles>
// kernel: _warp.3.cloned.1.call-start
scs
__scs_entry_jumppad:
0x0: {  	(pc) =	sbr.rel $0x88, $3  }
0x1: {  	(tag) =	ssettag $0x0;
	lr =	simm.s32 $0x1  }
0x2: {  	[smem:$0x3F9E] =	sst lr;
	_ =	strace $0xD0000000  }
0x3: {  	_ = 	snop  }
0x4: {  	_ = 	snop  }
0x5: {  	_ = 	snop  }
0x6: {  	_ = 	snop  }
0x7: {  	_ = 	snop  }
__scs_overlays_trampoline_lowered:
0x8: {  	[smem:$0x3FAD] =	sst s0  }
0x9: {  	[smem:$0x3FAE] =	sst s1  }
0xa: {  	[smem:$0x3FAF] =	sst s2  }
0xb: {  	[smem:$0x3FB0] =	sst s3  }
0xc: {  	[smem:$0x3FB1] =	sst s4  }
0xd: {  	[smem:$0x3FB2] =	sst s5  }
0xe: {  	[smem:$0x3FB3] =	sst s6  }
0xf: {  	[smem:$0x3FB4] =	sst s7  }
0x10: {  	[smem:$0x3FB5] =	sst s8  }
0x11: {  	[smem:$0x3FB6] =	sst s9;
	s0 =	simm.s32 @!p0 $0x0  }
0x12: {  	s1 =	sld [smem:$0x3F9C];
	s0 =	simm.s32 @p0 $0x1  }
0x13: {  	[smem:$0x3FB7] =	sst s0;
	s0 =	simm.s32 @!p1 $0x0  }
0x14: {  	s2 =	sld [smem:$0x3F9B];
	s0 =	simm.s32 @p1 $0x1  }
0x15: {  	[smem:$0x3FB8] =	sst s0;
	s0 =	simm.s32 @!p2 $0x0  }
0x16: {  	s3 =	sld [smem:$0x3FDB];
	s0 =	simm.s32 @p2 $0x1  }
0x17: {  	s4 =	simm.s32 $0x1BF5;
	[smem:$0x3FBA] =	sst s0  }
0x18: {  	s0 =	sld [smem:$0x3F9D];
	_ =	swait.ge [sflag:s4], $0x0  }
0x19: {  	s7 =	sld [smem:$0x3F9E]  }
0x1a: {  	s8 =	sadd.s32 $0xFFFFE003, lr  }
0x1b: {  	s9 =	sadd.s32 $0xFFFFFEF7, lr;
	s5 =	simm.s32 $0xFFFFFFFF;
	p2 =	slt.u32 s8, $0xFFFFF086  }
0x1c: {  	p1 =	slt.u32 s9, $0xF7A;
	s5 =	simm.s32 @!p2 $0x0  }
0x1d: {  	s5 =	simm.s32 @p1 $0x1;
	p0 =	seq.s32 s7, s2  }
0x1e: {  	s7 =	smul.u32 @!p0 $0xF7A, s2;
	p2 =	seq.s32 @!p0 s5, $0x0  }
0x1f: {  	s9 =	smul.u32 $0xF7A, s1;
	s8 =	simm.s32 @!p0 $0x1BF5;
	p2 =	por !p2, p0  }
0x20: {  	[sflag:s8] =	ssyncset.s32 @!p0 $0xFFFFF086;
	s6 =	sadd.s32 @!p0 s3, s7;
	s7 =	simm.s32 @!p0 $0x108  }
0x21: {  	s3 =	sadd.s32 s3, s9;
	s6 =	sadd.s32 @!p0 $0x88, s6;
	s7 =	simm.s32 @p2 $0x1082  }
0x22: {  	[simem:s7], [sflag:s8] =	dma.local @!p0 [hbm:s6], $0xF7A  }
0x23: {  	s9 =	sor.u32 $0xD0000000, s2;
	s6 =	simm.s32 $0x108;
	_ =	swait.ge @!p0 [sflag:s8], $0x0  }
0x24: {  	s3 =	sadd.s32 $0x88, s3;
	s6 =	simm.s32 @!p1 $0x1082;
	[sflag:s4] =	ssyncset.s32 $0xFFFFF086  }
0x25: {  	[simem:s6], [sflag:s4] =	dma.local [hbm:s3], $0xF7A  }
0x26: {  	[smem:$0x3F9E] =	sst s1;
	(tag) =	ssettag s2;
	_ =	strace s9  }
0x27: {  	s1 =	sld [smem:$0x3FAE]  }
0x28: {  	s2 =	sld [smem:$0x3FAF]  }
0x29: {  	s4 =	sld [smem:$0x3FB1]  }
0x2a: {  	p0 =	seq.s32 s5, $0x0;
	s5 =	sld [smem:$0x3FB2]  }
0x2b: {  	s6 =	sld [smem:$0x3FB3]  }
0x2c: {  	s7 =	sld [smem:$0x3FB4]  }
0x2d: {  	s3 =	simm.s32 $0x108;
	s8 =	sld [smem:$0x3FB5]  }
0x2e: {  	s3 =	simm.s32 @!p0 $0x1082;
	s9 =	sld [smem:$0x3FB6]  }
0x2f: {  	lr =	sadd.s32 s0, s3;
	s0 =	sld [smem:$0x3FAD]  }
0x30: {  	s3 =	sld [smem:$0x3FB0]  }
0x31: {  	[smem:$0x3FB9] =	sst s10  }
0x32: {  	s10 =	sld [smem:$0x3FB7];
	_ =	sdelay $0x3  }
0x33: {  	p0 =	seq.s32 s10, $0x1;
	s10 =	sld [smem:$0x3FB9];
	_ =	sdelay $0x3  }
0x34: {  	[smem:$0x3FB9] =	sst s10  }
0x35: {  	s10 =	sld [smem:$0x3FB8];
	_ =	sdelay $0x3  }
0x36: {  	p1 =	seq.s32 s10, $0x1;
	s10 =	sld [smem:$0x3FB9];
	_ =	sdelay $0x3  }
0x37: {  	[smem:$0x3FB9] =	sst s10  }
0x38: {  	s10 =	sld [smem:$0x3FBA]  }
0x39: {  	_ = 	snop;
	(pc) =	sbr.ind lr, $3  }
0x3a: {  	_ = 	snop  }
0x3b: {  	_ = 	snop  }
0x3c: {  	p2 =	seq.s32 s10, $0x1;
	s10 =	sld [smem:$0x3FB9]  }
0x3d: {  	_ =	shalt  }
0x3e: {  	_ =	shalt  }
0x3f: {  	_ =	shalt  }
0x40: {  	_ =	shalt  }
0x41: {  	_ =	shalt  }
0x42: {  	_ =	shalt  }
0x43: {  	_ =	shalt  }
0x44: {  	_ =	shalt  }
0x45: {  	_ =	shalt  }
0x46: {  	_ =	shalt  }
0x47: {  	_ =	shalt  }
0x48: {  	_ =	shalt  }
0x49: {  	_ =	shalt  }
0x4a: {  	_ =	shalt  }
0x4b: {  	_ =	shalt  }
0x4c: {  	_ =	shalt  }
0x4d: {  	_ =	shalt  }
0x4e: {  	_ =	shalt  }
0x4f: {  	_ =	shalt  }
0x50: {  	_ =	shalt  }
0x51: {  	_ =	shalt  }
0x52: {  	_ =	shalt  }
0x53: {  	_ =	shalt  }
0x54: {  	_ =	shalt  }
0x55: {  	_ =	shalt  }
0x56: {  	_ =	shalt  }
0x57: {  	_ =	shalt  }
0x58: {  	_ =	shalt  }
0x59: {  	_ =	shalt  }
0x5a: {  	_ =	shalt  }
0x5b: {  	_ =	shalt  }
0x5c: {  	_ =	shalt  }
0x5d: {  	_ =	shalt  }
0x5e: {  	_ =	shalt  }
0x5f: {  	_ =	shalt  }
0x60: {  	_ =	shalt  }
0x61: {  	_ =	shalt  }
0x62: {  	_ =	shalt  }
0x63: {  	_ =	shalt  }
0x64: {  	_ =	shalt  }
0x65: {  	_ =	shalt  }
0x66: {  	_ =	shalt  }
0x67: {  	_ =	shalt  }
0x68: {  	_ =	shalt  }
0x69: {  	_ =	shalt  }
0x6a: {  	_ =	shalt  }
0x6b: {  	_ =	shalt  }
0x6c: {  	_ =	shalt  }
0x6d: {  	_ =	shalt  }
0x6e: {  	_ =	shalt  }
0x6f: {  	_ =	shalt  }
0x70: {  	_ =	shalt  }
0x71: {  	_ =	shalt  }
0x72: {  	_ =	shalt  }
0x73: {  	_ =	shalt  }
0x74: {  	_ =	shalt  }
0x75: {  	_ =	shalt  }
0x76: {  	_ =	shalt  }
0x77: {  	_ =	shalt  }
0x78: {  	_ =	shalt  }
0x79: {  	_ =	shalt  }
0x7a: {  	_ =	shalt  }
0x7b: {  	_ =	shalt  }
0x7c: {  	_ =	shalt  }
0x7d: {  	_ =	shalt  }
0x7e: {  	_ =	shalt  }
0x7f: {  	_ =	shalt  }
0x80: {  	_ =	shalt  }
0x81: {  	_ =	shalt  }
0x82: {  	_ =	shalt  }
0x83: {  	_ =	shalt  }
0x84: {  	_ =	shalt  }
0x85: {  	_ =	shalt  }
0x86: {  	_ =	shalt  }
0x87: {  	_ =	shalt  }
.Lfunc_end0:
.L_simem_size_0:
called_computation_lowered:
.L_overlay_start_0:
0x88: {  	s2 =	sld [smem:$0x3FD9]  }
0x89: {  	s3 =	sld [smem:$0x3FFE];
	_ =	sdelay $0x1  }
0x8a: {  	s1 =	srdreg.scid  }
0x8b: {  	s0 =	sand.u32 $0x1, s1  }
0x8c: {  	s18 =	sshll.u32 s0, $0xA;
	s2 =	sadd.s32 s3, s2  }
0x8d: {  	s2 =	sadd.s32 s2, s18  }
0x8e: {  	[smem:$0x3FC5] =	sst s2  }
0x8f: {  	_ = 	snop  }
0x90: {  	s2 =	sld [smem:$0x3FC9]  }
0x91: {  	s19 =	sld [smem:$0x3FC8]  }
0x92: {  	s4 =	sld [smem:$0x3FC7]  }
0x93: {  	s5 =	sld [smem:$0x3FD0];
	(tm) =	ssettm $0x1  }
0x94: {  	s6 =	sld [smem:$0x3FFB];
	_ =	sdelay $0x3  }
0x95: {  	_ =	strace s6  }
0x96: {  	s6 =	sld [smem:$0x3FFC];
	_ =	sdelay $0x3  }
0x97: {  	_ =	strace s6  }
0x98: {  	s6 =	sld [smem:$0x3FFD];
	_ =	sdelay $0x3  }
0x99: {  	_ =	strace s6  }
0x9a: {  	_ =	strace $0x8FFFFFFF  }
0x9b: {  	s20 =	sld [smem:$0x3FDB];
	_ =	sdelay $0x1  }
0x9c: {  	s7 =	simm.s32 $_scs_section_size  }
0x9d: {  	s8 =	simm.s32 $_size__tile_overlayer_lowered;
	s9 =	simm.s32 $_tile_overlayer_lowered  }
0x9e: {  	s23 =	simm.s32 $0x1BFF;
	s22 =	sshll.u32 s9, $0x1;
	s6 =	sadd.s32 s7, s20  }
0x9f: {  	s10 =	simm.s32 $0x0;
	s21 =	sshll.u32 s8, $0x1;
	s8 =	sadd.s32 s22, s6  }
0xa0: {  	[timem:s10], [sflag:s23] =	dma.local [hbm:s8], s21  }
0xa1: {  	_ =	swait.ge [sflag:s23], s21  }
0xa2: {  	s7 =	ssub.s32 $0x0, s21;
	[sflag:s23] =	ssyncset.done $0x0  }
0xa3: {  	[sflag:s23] =	ssyncadd.s32 s7;
	_ =	sdelay $0x1  }
0xa4: {  	s24 =	simm.s32 $0x1B8B  }
0xa5: {  	_ =	swait.ge [sflag:s24], $0x1  }
0xa6: {  	[sflag:s24] =	ssyncset.done $0x0  }
0xa7: {  	s25 =	simm.s32 $0x1B8E;
	[sflag:s24] =	ssyncadd.s32 $0xFFFFFFFF  }
0xa8: {  	s26 =	simm.s32 $execute0_lowered;
	[smem:$0x3FD2] =	sst s25  }
0xa9: {  	s7 =	sshll.u32 s26, $0x1;
	_ =	strace $0x80000046;
	[dreg:$0x1] =	wrdreg $0xFFFFFFFF  }
0xaa: {  	s28 =	simm.s32 $_size_execute0_lowered;
	s6 =	sadd.s32 s6, s7;
	[dreg:$0x0] =	wrdreg $0x0  }
0xab: {  	s7 =	sshll.u32 s28, $0x1;
	[dreg:$0x2] =	wrdreg s6  }
0xac: {  	[dreg:$0x3] =	wrdreg s7  }
0xad: {  	[dreg:$0x4] =	wrdreg $0xC0  }
0xae: {  	_ =	task [dreg:s10], $0x5FFFF  }
0xaf: {  	[dreg:$0x1] =	wrdreg $0xFFFFFFFF  }
0xb0: {  	[dreg:$0x0] =	wrdreg $0x60  }
0xb1: {  	[dreg:$0x2] =	wrdreg s2  }
0xb2: {  	[dreg:$0x3] =	wrdreg s19  }
0xb3: {  	[dreg:$0x4] =	wrdreg s4  }
0xb4: {  	[dreg:$0x5] =	wrdreg s5  }
0xb5: {  	[dreg:$0x6] =	wrdreg $0x9  }
0xb6: {  	_ =	task.clear_ibuf [dreg:s10], $0x7FFFF;
	_ =	strace $0x90000046  }
0xb7: {  	s29 =	simm.s32 $0x9;
	_ =	strace $0x80000048  }
0xb8: {  	_ =	swait.ge [sflag:s29], $0x1  }
0xb9: {  	[sflag:s29] =	ssyncadd.s32 $0xFFFFFFFF  }
0xba: {  	_ =	strace $0x90000048  }
0xbb: {  	_ =	sfence  }
0xbc: {  	s30 =	sld [smem:$0x0];
	_ =	sdelay $0x2  }
0xbd: {  	s31 =	sshll.u32 s1, $0xD;
	s1 =	sshrl.u32 s1, $0x2  }
0xbe: {  	s3 =	sand.u32 $0x4000, s31;
	s1 =	sadd.s32 s1, s30  }
0xbf: {  	s0 =	sor.u32 s3, s0;
	s1 =	sshll.u32 s1, $0x11  }
0xc0: {  	s0 =	sor.u32 s1, s0  }
0xc1: {  	s0 =	sadd.s32 $0x8F2B, s0  }
0xc2: {  	[sflag:s0] =	ssyncadd.remote.s32 $0x1  }
0xc3: {  	_ =	sfence.sel $0xFFFF  }
0xc4: {  	[dreg:$0x0] =	wrdreg $0xFFFFFFFF;
	(pc) =	sbr.abs _section_cstart, $3  }
0xc5: {  	[dreg:$0x1] =	wrdreg $0xFFFFFFFF  }
0xc6: {  	_ =	task.clear_ibuf [dreg:s10], $0x2FFFF;
	_ =	strace $0x9FFFFFFF  }
0xc7: {  	(tm) =	ssettm $0x7FFFFFFF  }
tec
execute0_lowered:
.L_overlay_start_1:
0x0: {  	(tag) =	ssettag $0x1  }
0x1: {  	s1 =	rddreg [dreg:$0x0]  }
0x2: {  	s0 =	srdreg.scid;
	s4 =	stileid.u32  }
0x3: {  	s3 =	rddreg [dreg:$0x1];
	s0 =	sand.u32 $0x1, s0;
	s2 =	sshll.u32 s4, $0x5  }
0x4: {  	s6 =	simm.s32 $0x0;
	s7 =	sshll.u32 s0, $0x4;
	s2 =	sand.u32 $0xE0, s2  }
0x5: {  	[smem:$0x7FF] =	sst s6;
	s10 =	sshrl.u32 s4, $0x3;
	s2 =	sor.u32 s7, s2  }
0x6: {  	_ =	strace $0x80000047;
	s0 =	ssub.s32 $0x2, s0;
	s7 =	sshrl.u32 s2, $0x1  }
0x7: {  	s8 =	sshrl.u32 s0, $0x1;
	p0 =	seq.s32 s2, $0xF0;
	s9 =	sadd.s32 $0xFFFFFFFB, s7  }
0x8: {  	p1 =	seq.s32 s2, $0x0;
	s0 =	ssub.s32 s0, s8;
	s9 =	simm.s32 @p0 $0x6E  }
0x9: {  	s8 =	sshll.u32 s10, $0x7;
	s2 =	sshll.u32 s2, $0x6;
	s9 =	simm.s32 @p1 $0x0  }
0xa: {  	[dreg:$0x17] =	wrdreg s2;
	s0 =	smax.u32 s0, $0x1;
	s11 =	sshll.u32 s9, $0xF  }
0xb: {  	[dreg:$0x18] =	wrdreg s0;
	s12 =	sshll.u32 s9, $0x7;
	s26 =	sor.u32 s8, s11  }
0xc: {  	s28 =	sadd.s32 $0x80, s12;
	[dreg:$0x5] =	wrdreg s26  }
0xd: {  	s5 =	sadd.s32 $0x100, s12;
	[dreg:$0x6] =	wrdreg s28  }
0xe: {  	v0 =	vimm.f32 $1.500000000e+01;
	vm0 =	vcmask $0x300;
	s11 =	sadd.s32 $0x180, s12;
	[dreg:$0x7] =	wrdreg s5  }
0xf: {  	vm14 =	vcmask $0x704;
	v0 =	vsel vm0, $0x0, v0;
	s13 =	sadd.s32 $0x200, s12;
	[dreg:$0x8] =	wrdreg s11  }
0x10: {  	vm15 =	vcmask $0xB08;
	v0 =	vsel vm14, $0x3F800000, v0;
	s14 =	sadd.s32 $0x280, s12;
	[dreg:$0x9] =	wrdreg s13  }
0x11: {  	vm4 =	vcmask $0xF0C;
	v0 =	vsel vm15, $0x40000000, v0;
	s15 =	sadd.s32 $0x300, s12;
	[dreg:$0xa] =	wrdreg s14  }
0x12: {  	vm5 =	vcmask $0x1310;
	v0 =	vsel vm4, $0x40400000, v0;
	s16 =	sadd.s32 $0x380, s12;
	[dreg:$0xb] =	wrdreg s15  }
0x13: {  	s30 =	simm.s32 $0x80;
	vm6 =	vcmask $0x1714;
	v0 =	vsel vm5, $0x40800000, v0;
	s17 =	sadd.s32 $0x400, s12;
	[dreg:$0xc] =	wrdreg s16  }
0x14: {  	s31 =	simm.s32 $0x100;
	vm7 =	vcmask $0x1B18;
	v0 =	vsel vm6, $0x40A00000, v0;
	s18 =	sadd.s32 $0x480, s12;
	[dreg:$0xd] =	wrdreg s17  }
0x15: {  	vm8 =	vcmask $0x1F1C;
	s10 =	sshll.u32 s10, $0x15;
	v1 =	vsel vm7, $0x40C00000, v0;
	s19 =	sadd.s32 $0x500, s12;
	[dreg:$0xe] =	wrdreg s18  }
0x16: {  	vm9 =	vcmask $0x2320;
	vm10 =	vcmask $0x2724;
	p0 =	sgt.s32 s9, $0x0;
	v2 =	vsel vm8, $0x40E00000, v1;
	s20 =	sadd.s32 $0x580, s12;
	[dreg:$0xf] =	wrdreg s19  }
0x17: {  	vm11 =	vcmask $0x2B28;
	vm12 =	vcmask $0x2F2C;
	p1 =	slt.s32 s9, $0x6E;
	s21 =	sadd.s32 $0x600, s12;
	v3 =	vsel vm9, $0x41000000, v2;
	[dreg:$0x10] =	wrdreg s20  }
0x18: {  	v5 =	vlaneseq.u32;
	vm13 =	vcmask $0x3330;
	s22 =	sadd.s32 $0x680, s12;
	s23 =	sadd.s32 $0x700, s12;
	[dreg:$0x11] =	wrdreg s21;
	v4 =	vsel vm10, $0x41100000, v3  }
0x19: {  	v7 =	vimm.f32 $0.0e+00;
	vm14 =	vcmask $0x3734;
	s24 =	sadd.s32 $0x780, s12;
	[dreg:$0x12] =	wrdreg s22;
	s28 =	scvt.s32.f32 s9;
	v4 =	vsel vm11, $0x41200000, v4  }
0x1a: {  	vm15 =	vcmask $0x3B38;
	[dreg:$0x13] =	wrdreg s23;
	s9 =	simm.f32 $0.0e+00;
	s11 =	simm.f32 $1.700000000e+01;
	v3 =	vmov s10;
	v4 =	vsel vm12, $0x41300000, v4  }
.Ltmp0:
0x1b: {  	s9 =	simm.s32 @!p0 $0xFF800000;
	s11 =	simm.s32 @!p1 $0x7F800000;
	v0 =	vmov s28;
	v6 =	vsel vm13, $0x41400000, v4;
	v4 =	vmul.u32 $0x80, v5;
	(pc) =	sbr.rel .LBB2_1-.Ltmp0, $4  }
0x1c: {  	s29 =	simm.s32 $0xA200;
	s25 =	sadd.s32 $0x800, s12;
	[dreg:$0x14] =	wrdreg s24;
	v1 =	vmov s9;
	v2 =	vmov s11;
	v6 =	vsel vm14, $0x41500000, v6  }
0x1d: {  	s2 =	simm.s32 $0x1;
	s0 =	simm.s32 $0x12200;
	[dreg:$0x15] =	wrdreg s25;
	v5 =	vmul.u32 $0x3, v5;
	v6 =	vsel vm15, $0x41600000, v6;
	v8 =	vor.u32 $0x800, v4  }
0x1e: {  	s26 =	sadd.s32 $0x880, s12;
	s10 =	simm.s32 $0x3;
	s5 =	simm.s32 $0x0;
	v9 =	vor.u32 $0x1000, v4;
	v10 =	vor.u32 $0x1800, v4;
	v11 =	vor.u32 $0x2000, v4  }
0x1f: {  	[dreg:$0x16] =	wrdreg s26;
	s9 =	simm.s32 $0x12280;
	s11 =	simm.s32 $0x2;
	v12 =	vor.u32 $0x2800, v4;
	v13 =	vor.u32 $0x3000, v4;
	v14 =	vor.u32 $0x3800, v4  }
.LBB2_7:
0x20: {  	s5 =	rddreg [dreg:$0x19]  }
0x21: {  	s4 =	rddreg [dreg:$0x18];
	s5 =	sadd.s32 $0x1, s5  }
0x22: {  	p0 =	sne.s32 s5, s4  }
.Ltmp1:
0x23: {  	_ = 	snop;
	(pc) =	sbr.rel @!p0 .LBB2_8-.Ltmp1, $1  }
0x24: {  	_ =	sdelay $0x3  }
.LBB2_1:
.Ltmp2:
0x25: {  	(pc) =	sbr.rel .LBB2_2-.Ltmp2, $2  }
0x26: {  	_ =	sdelay $0x2  }
0x27: {  	[dreg:$0x19] =	wrdreg s5;
	s12 =	simm.s32 $0x0  }
.LBB2_6:
0x28: {  	s4 =	sshll.u32 s15, $0x8  }
0x29: {  	s4 =	sor.u32 s8, s4  }
0x2a: {  	s5 =	rddreg [dreg:$0x3];
	s4 =	sshrl.u32 s4, $0x3  }
0x2b: {  	s13 =	simm.s32 $0x10200;
	s26 =	sshll.u32 s16, $0x8;
	s4 =	sadd.s32 s5, s4  }
0x2c: {  	[hbm4b:s4+s30] =	stream.strided.scatter [tilespmem:s13], [sflag:$0x2], $0x400, s31, s30, $0x38;
	[tilespmem:$0x16280] =	vst v63  }
0x2d: {  	s4 =	sor.u32 s8, s26  }
0x2e: {  	s4 =	sshrl.u32 s4, $0x3  }
0x2f: {  	s28 =	simm.s32 $0x10600;
	s14 =	sshll.u32 s17, $0x8;
	s4 =	sadd.s32 s5, s4  }
0x30: {  	[hbm4b:s4+s30] =	stream.strided.scatter [tilespmem:s28], [sflag:$0x2], $0x400, s31, s30, $0x38;
	[tilespmem:$0x16280] =	vst v63  }
0x31: {  	s4 =	sor.u32 s8, s14  }
0x32: {  	s4 =	sshrl.u32 s4, $0x3  }
0x33: {  	s15 =	simm.s32 $0x10A00;
	s16 =	sshll.u32 s18, $0x8;
	s4 =	sadd.s32 s5, s4  }
0x34: {  	[hbm4b:s4+s30] =	stream.strided.scatter [tilespmem:s15], [sflag:$0x2], $0x400, s31, s30, $0x38;
	[tilespmem:$0x16280] =	vst v63  }
0x35: {  	s4 =	sor.u32 s8, s16  }
0x36: {  	s4 =	sshrl.u32 s4, $0x3  }
0x37: {  	s17 =	simm.s32 $0x10E00;
	s18 =	sshll.u32 s19, $0x8;
	s4 =	sadd.s32 s5, s4  }
0x38: {  	[hbm4b:s4+s30] =	stream.strided.scatter [tilespmem:s17], [sflag:$0x2], $0x400, s31, s30, $0x38;
	[tilespmem:$0x16280] =	vst v63  }
0x39: {  	s4 =	sor.u32 s8, s18  }
0x3a: {  	s4 =	sshrl.u32 s4, $0x3  }
0x3b: {  	s19 =	simm.s32 $0x11200;
	s20 =	sshll.u32 s20, $0x8;
	s4 =	sadd.s32 s5, s4  }
0x3c: {  	[hbm4b:s4+s30] =	stream.strided.scatter [tilespmem:s19], [sflag:$0x2], $0x400, s31, s30, $0x38;
	[tilespmem:$0x16280] =	vst v63  }
0x3d: {  	s4 =	sor.u32 s8, s20  }
0x3e: {  	s4 =	sshrl.u32 s4, $0x3  }
0x3f: {  	s23 =	simm.s32 $0x11600;
	s24 =	sshll.u32 s21, $0x8;
	s4 =	sadd.s32 s5, s4  }
0x40: {  	[hbm4b:s4+s30] =	stream.strided.scatter [tilespmem:s23], [sflag:$0x2], $0x400, s31, s30, $0x38;
	[tilespmem:$0x16280] =	vst v63  }
0x41: {  	s4 =	sor.u32 s8, s24  }
0x42: {  	s4 =	sshrl.u32 s4, $0x3  }
0x43: {  	s25 =	simm.s32 $0x11A00;
	s26 =	sshll.u32 s22, $0x8;
	s4 =	sadd.s32 s5, s4  }
0x44: {  	[hbm4b:s4+s30] =	stream.strided.scatter [tilespmem:s25], [sflag:$0x2], $0x400, s31, s30, $0x38;
	[tilespmem:$0x16280] =	vst v63  }
0x45: {  	s4 =	sor.u32 s8, s26  }
0x46: {  	s4 =	sshrl.u32 s4, $0x3  }
0x47: {  	s28 =	simm.s32 $0x11E00;
	s4 =	sadd.s32 s5, s4  }
0x48: {  	[hbm4b:s4+s30] =	stream.strided.scatter [tilespmem:s28], [sflag:$0x2], $0x400, s31, s30, $0x38;
	[tilespmem:$0x16280] =	vst v63  }
0x49: {  	_ =	swait.ge [sflag:s11], $0x400  }
0x4a: {  	[sflag:s11] =	ssyncset.done $0x0  }
0x4b: {  	[sflag:s11] =	ssyncadd.s32 $0xFFFFFC00  }
0x4c: {  	_ =	swait.ge [sflag:s11], $0x400  }
0x4d: {  	[sflag:s11] =	ssyncset.done $0x0  }
0x4e: {  	[sflag:s11] =	ssyncadd.s32 $0xFFFFFC00  }
0x4f: {  	_ =	swait.ge [sflag:s11], $0x400  }
0x50: {  	[sflag:s11] =	ssyncset.done $0x0  }
0x51: {  	[sflag:s11] =	ssyncadd.s32 $0xFFFFFC00  }
0x52: {  	_ =	swait.ge [sflag:s11], $0x400  }
0x53: {  	[sflag:s11] =	ssyncset.done $0x0  }
0x54: {  	[sflag:s11] =	ssyncadd.s32 $0xFFFFFC00  }
0x55: {  	_ =	swait.ge [sflag:s11], $0x400  }
0x56: {  	[sflag:s11] =	ssyncset.done $0x0  }
0x57: {  	[sflag:s11] =	ssyncadd.s32 $0xFFFFFC00  }
0x58: {  	_ =	swait.ge [sflag:s11], $0x400  }
0x59: {  	[sflag:s11] =	ssyncset.done $0x0  }
0x5a: {  	s12 =	sadd.s32 $0x1, s12;
	[sflag:s11] =	ssyncadd.s32 $0xFFFFFC00  }
0x5b: {  	p0 =	sne.s32 s12, $0x10;
	_ =	swait.ge [sflag:s11], $0x400  }
.Ltmp3:
0x5c: {  	[sflag:s11] =	ssyncset.done $0x0;
	(pc) =	sbr.rel @!p0 .LBB2_7-.Ltmp3, $4  }
0x5d: {  	[sflag:s11] =	ssyncadd.s32 $0xFFFFFC00  }
0x5e: {  	_ =	swait.ge [sflag:s11], $0x400  }
0x5f: {  	[sflag:s11] =	ssyncset.done $0x0  }
0x60: {  	[sflag:s11] =	ssyncadd.s32 $0xFFFFFC00  }
.LBB2_2:
0x61: {  	s13 =	sshll.u32 s12, $0x3  }
0x62: {  	p0 =	seq.s32 s12, $0xF;
	s23 =	sadd.s32 $0xFFFFFFFB, s13  }
0x63: {  	p1 =	seq.s32 s12, $0x0;
	s23 =	simm.s32 @p0 $0x6E  }
0x64: {  	s23 =	simm.s32 @p1 $0x0  }
0x65: {  	s4 =	rddreg [dreg:$0x5];
	s14 =	sshll.u32 s23, $0x8  }
0x66: {  	s14 =	sadd.s32 s4, s14  }
0x67: {  	s17 =	rddreg [dreg:$0x6];
	s14 =	sshrl.u32 s14, $0x3  }
0x68: {  	s18 =	sadd.s32 s17, s23;
	s15 =	sadd.s32 s1, s14;
	s14 =	simm.s32 $0x0  }
0x69: {  	[tilespmem:s14], [sflag:$0x1] =	stream.strided.gather [hbm4b:s15+s30], $0x900, s31, s30, $0x38;
	[tilespmem:$0x16280] =	vst v63  }
0x6a: {  	s15 =	sshll.u32 s18, $0x8  }
0x6b: {  	s15 =	sor.u32 s8, s15  }
0x6c: {  	s20 =	rddreg [dreg:$0x7];
	s15 =	sshrl.u32 s15, $0x3  }
0x6d: {  	s19 =	simm.s32 $0x900;
	s21 =	sadd.s32 s20, s23;
	s15 =	sadd.s32 s1, s15  }
0x6e: {  	[tilespmem:s19], [sflag:$0x1] =	stream.strided.gather [hbm4b:s15+s30], $0x900, s31, s30, $0x38;
	[tilespmem:$0x16280] =	vst v63  }
0x6f: {  	s15 =	sshll.u32 s21, $0x8  }
0x70: {  	s15 =	sor.u32 s8, s15  }
0x71: {  	s24 =	rddreg [dreg:$0x8];
	s15 =	sshrl.u32 s15, $0x3  }
0x72: {  	s22 =	simm.s32 $0x1200;
	s25 =	sadd.s32 s24, s23;
	s15 =	sadd.s32 s1, s15  }
0x73: {  	[tilespmem:s22], [sflag:$0x1] =	stream.strided.gather [hbm4b:s15+s30], $0x900, s31, s30, $0x38;
	[tilespmem:$0x16280] =	vst v63  }
0x74: {  	s15 =	sshll.u32 s25, $0x8  }
0x75: {  	s15 =	sor.u32 s8, s15  }
0x76: {  	s28 =	rddreg [dreg:$0x9];
	s15 =	sshrl.u32 s15, $0x3  }
0x77: {  	s26 =	simm.s32 $0x1B00;
	s5 =	sadd.s32 s28, s23;
	s15 =	sadd.s32 s1, s15  }
0x78: {  	[tilespmem:s26], [sflag:$0x1] =	stream.strided.gather [hbm4b:s15+s30], $0x900, s31, s30, $0x38;
	[tilespmem:$0x16280] =	vst v63  }
0x79: {  	s15 =	sshll.u32 s5, $0x8  }
0x7a: {  	s15 =	sor.u32 s8, s15  }
0x7b: {  	s17 =	rddreg [dreg:$0xa];
	s15 =	sshrl.u32 s15, $0x3  }
0x7c: {  	s16 =	simm.s32 $0x2400;
	s18 =	sadd.s32 s17, s23;
	s15 =	sadd.s32 s1, s15  }
0x7d: {  	[tilespmem:s16], [sflag:$0x1] =	stream.strided.gather [hbm4b:s15+s30], $0x900, s31, s30, $0x38;
	[tilespmem:$0x16280] =	vst v63  }
0x7e: {  	s15 =	sshll.u32 s18, $0x8  }
0x7f: {  	s15 =	sor.u32 s8, s15  }
0x80: {  	s20 =	rddreg [dreg:$0xb];
	s15 =	sshrl.u32 s15, $0x3  }
0x81: {  	s19 =	simm.s32 $0x2D00;
	s21 =	sadd.s32 s20, s23;
	s15 =	sadd.s32 s1, s15  }
0x82: {  	[tilespmem:s19], [sflag:$0x1] =	stream.strided.gather [hbm4b:s15+s30], $0x900, s31, s30, $0x38;
	[tilespmem:$0x16280] =	vst v63  }
0x83: {  	s15 =	sshll.u32 s21, $0x8  }
0x84: {  	s15 =	sor.u32 s8, s15  }
0x85: {  	s24 =	rddreg [dreg:$0xc];
	s15 =	sshrl.u32 s15, $0x3  }
0x86: {  	s22 =	simm.s32 $0x3600;
	s25 =	sadd.s32 s24, s23;
	s15 =	sadd.s32 s1, s15  }
0x87: {  	[tilespmem:s22], [sflag:$0x1] =	stream.strided.gather [hbm4b:s15+s30], $0x900, s31, s30, $0x38;
	[tilespmem:$0x16280] =	vst v63  }
0x88: {  	s15 =	sshll.u32 s25, $0x8  }
0x89: {  	s15 =	sor.u32 s8, s15  }
0x8a: {  	s28 =	rddreg [dreg:$0xd];
	s15 =	sshrl.u32 s15, $0x3  }
0x8b: {  	s26 =	simm.s32 $0x3F00;
	s5 =	sadd.s32 s28, s23;
	s15 =	sadd.s32 s1, s15  }
0x8c: {  	[tilespmem:s26], [sflag:$0x1] =	stream.strided.gather [hbm4b:s15+s30], $0x900, s31, s30, $0x38;
	[tilespmem:$0x16280] =	vst v63  }
0x8d: {  	s15 =	sshll.u32 s5, $0x8  }
0x8e: {  	s15 =	sor.u32 s8, s15  }
0x8f: {  	s17 =	rddreg [dreg:$0xe];
	s15 =	sshrl.u32 s15, $0x3  }
0x90: {  	s16 =	simm.s32 $0x4800;
	s18 =	sadd.s32 s17, s23;
	s15 =	sadd.s32 s1, s15  }
0x91: {  	[tilespmem:s16], [sflag:$0x1] =	stream.strided.gather [hbm4b:s15+s30], $0x900, s31, s30, $0x38;
	[tilespmem:$0x16280] =	vst v63  }
0x92: {  	s15 =	sshll.u32 s18, $0x8  }
0x93: {  	s15 =	sor.u32 s8, s15  }
0x94: {  	s20 =	rddreg [dreg:$0xf];
	s15 =	sshrl.u32 s15, $0x3  }
0x95: {  	s19 =	simm.s32 $0x5100;
	s21 =	sadd.s32 s20, s23;
	s15 =	sadd.s32 s1, s15  }
0x96: {  	[tilespmem:s19], [sflag:$0x1] =	stream.strided.gather [hbm4b:s15+s30], $0x900, s31, s30, $0x38;
	[tilespmem:$0x16280] =	vst v63  }
0x97: {  	s15 =	sshll.u32 s21, $0x8  }
0x98: {  	s15 =	sor.u32 s8, s15  }
0x99: {  	s24 =	rddreg [dreg:$0x10];
	s15 =	sshrl.u32 s15, $0x3  }
0x9a: {  	s22 =	simm.s32 $0x5A00;
	s25 =	sadd.s32 s24, s23;
	s15 =	sadd.s32 s1, s15  }
0x9b: {  	[tilespmem:s22], [sflag:$0x1] =	stream.strided.gather [hbm4b:s15+s30], $0x900, s31, s30, $0x38;
	[tilespmem:$0x16280] =	vst v63  }
0x9c: {  	s15 =	sshll.u32 s25, $0x8  }
0x9d: {  	s15 =	sor.u32 s8, s15  }
0x9e: {  	s28 =	rddreg [dreg:$0x11];
	s15 =	sshrl.u32 s15, $0x3  }
0x9f: {  	s26 =	simm.s32 $0x6300;
	s5 =	sadd.s32 s28, s23;
	s15 =	sadd.s32 s1, s15  }
0xa0: {  	[tilespmem:s26], [sflag:$0x1] =	stream.strided.gather [hbm4b:s15+s30], $0x900, s31, s30, $0x38;
	[tilespmem:$0x16280] =	vst v63  }
0xa1: {  	s15 =	sshll.u32 s5, $0x8  }
0xa2: {  	s15 =	sor.u32 s8, s15  }
0xa3: {  	s17 =	rddreg [dreg:$0x12];
	s15 =	sshrl.u32 s15, $0x3  }
0xa4: {  	s16 =	simm.s32 $0x6C00;
	s18 =	sadd.s32 s17, s23;
	s15 =	sadd.s32 s1, s15  }
0xa5: {  	[tilespmem:s16], [sflag:$0x1] =	stream.strided.gather [hbm4b:s15+s30], $0x900, s31, s30, $0x38;
	[tilespmem:$0x16280] =	vst v63  }
0xa6: {  	s15 =	sshll.u32 s18, $0x8  }
0xa7: {  	s15 =	sor.u32 s8, s15  }
0xa8: {  	s20 =	rddreg [dreg:$0x13];
	s15 =	sshrl.u32 s15, $0x3  }
0xa9: {  	s19 =	simm.s32 $0x7500;
	s21 =	sadd.s32 s20, s23;
	s15 =	sadd.s32 s1, s15  }
0xaa: {  	[tilespmem:s19], [sflag:$0x1] =	stream.strided.gather [hbm4b:s15+s30], $0x900, s31, s30, $0x38;
	[tilespmem:$0x16280] =	vst v63  }
0xab: {  	s15 =	sshll.u32 s21, $0x8  }
0xac: {  	s15 =	sor.u32 s8, s15  }
0xad: {  	s24 =	rddreg [dreg:$0x14];
	s15 =	sshrl.u32 s15, $0x3  }
0xae: {  	s22 =	simm.s32 $0x7E00;
	s25 =	sadd.s32 s24, s23;
	s15 =	sadd.s32 s1, s15  }
0xaf: {  	[tilespmem:s22], [sflag:$0x1] =	stream.strided.gather [hbm4b:s15+s30], $0x900, s31, s30, $0x38;
	[tilespmem:$0x16280] =	vst v63  }
0xb0: {  	s15 =	sshll.u32 s25, $0x8  }
0xb1: {  	s15 =	sor.u32 s8, s15  }
0xb2: {  	s28 =	rddreg [dreg:$0x15];
	s15 =	sshrl.u32 s15, $0x3  }
0xb3: {  	s4 =	sadd.s32 s28, s23;
	s26 =	simm.s32 $0x8700;
	s15 =	sadd.s32 s1, s15  }
0xb4: {  	[tilespmem:s26], [sflag:$0x1] =	stream.strided.gather [hbm4b:s15+s30], $0x900, s31, s30, $0x38;
	[tilespmem:$0x16280] =	vst v63  }
0xb5: {  	s15 =	sshll.u32 s4, $0x8  }
0xb6: {  	s15 =	sor.u32 s8, s15  }
0xb7: {  	s15 =	sshrl.u32 s15, $0x3  }
0xb8: {  	s5 =	simm.s32 $0x9000;
	s15 =	sadd.s32 s1, s15  }
0xb9: {  	[tilespmem:s5], [sflag:$0x1] =	stream.strided.gather [hbm4b:s15+s30], $0x900, s31, s30, $0x38;
	[tilespmem:$0x16280] =	vst v63  }
0xba: {  	s15 =	rddreg [dreg:$0x16]  }
0xbb: {  	s16 =	sadd.s32 s15, s23  }
0xbc: {  	s15 =	sshll.u32 s16, $0x8  }
0xbd: {  	s17 =	rddreg [dreg:$0x17];
	s15 =	sor.u32 s8, s15  }
0xbe: {  	s16 =	sshrl.u32 s15, $0x3;
	s15 =	sadd.s32 s17, s13  }
0xbf: {  	s18 =	simm.s32 $0x9900;
	s16 =	sadd.s32 s1, s16;
	s17 =	smul.u32 $0x300, s15  }
0xc0: {  	[tilespmem:s18], [sflag:$0x1] =	stream.strided.gather [hbm4b:s16+s30], $0x900, s31, s30, $0x38;
	[tilespmem:$0x16280] =	vst v63  }
0xc1: {  	s16 =	sor.u32 $0x80, s15  }
0xc2: {  	s19 =	sor.u32 s8, s17;
	s18 =	smul.u32 $0x300, s16  }
0xc3: {  	s4 =	rddreg [dreg:$0x2];
	s17 =	sshrl.u32 s19, $0x3  }
0xc4: {  	s17 =	sadd.s32 s4, s17;
	s20 =	sor.u32 s8, s18  }
0xc5: {  	[tilespmem:s29], [sflag:$0x1] =	stream.strided.gather [hbm4b:s17+s30], $0xC00, s31, s30, $0x38;
	[tilespmem:$0x16280] =	vst v63  }
0xc6: {  	s18 =	sshrl.u32 s20, $0x3;
	s17 =	sor.u32 $0x100, s15  }
0xc7: {  	s5 =	simm.s32 $0xAE00;
	s18 =	sadd.s32 s4, s18;
	s19 =	smul.u32 $0x300, s17  }
0xc8: {  	[tilespmem:s5], [sflag:$0x1] =	stream.strided.gather [hbm4b:s18+s30], $0xC00, s31, s30, $0x38;
	[tilespmem:$0x16280] =	vst v63  }
0xc9: {  	s18 =	sor.u32 $0x180, s15  }
0xca: {  	s21 =	sor.u32 s8, s19;
	s20 =	smul.u32 $0x300, s18  }
0xcb: {  	s19 =	sshrl.u32 s21, $0x3  }
0xcc: {  	s22 =	simm.s32 $0xBA00;
	s19 =	sadd.s32 s4, s19;
	s24 =	sor.u32 s8, s20  }
0xcd: {  	[tilespmem:s22], [sflag:$0x1] =	stream.strided.gather [hbm4b:s19+s30], $0xC00, s31, s30, $0x38;
	[tilespmem:$0x16280] =	vst v63  }
0xce: {  	s20 =	sshrl.u32 s24, $0x3;
	s19 =	sor.u32 $0x200, s15  }
0xcf: {  	s25 =	simm.s32 $0xC600;
	s20 =	sadd.s32 s4, s20;
	s21 =	smul.u32 $0x300, s19  }
0xd0: {  	[tilespmem:s25], [sflag:$0x1] =	stream.strided.gather [hbm4b:s20+s30], $0xC00, s31, s30, $0x38;
	[tilespmem:$0x16280] =	vst v63  }
0xd1: {  	s20 =	sor.u32 $0x280, s15  }
0xd2: {  	s26 =	sor.u32 s8, s21;
	s22 =	smul.u32 $0x300, s20  }
0xd3: {  	s21 =	sshrl.u32 s26, $0x3  }
0xd4: {  	s28 =	simm.s32 $0xD200;
	s21 =	sadd.s32 s4, s21;
	s24 =	sor.u32 s8, s22  }
0xd5: {  	[tilespmem:s28], [sflag:$0x1] =	stream.strided.gather [hbm4b:s21+s30], $0xC00, s31, s30, $0x38;
	[tilespmem:$0x16280] =	vst v63  }
0xd6: {  	s22 =	sshrl.u32 s24, $0x3;
	s21 =	sor.u32 $0x300, s15  }
0xd7: {  	s25 =	simm.s32 $0xDE00;
	s22 =	sadd.s32 s4, s22;
	s24 =	smul.u32 $0x300, s21  }
0xd8: {  	[tilespmem:s25], [sflag:$0x1] =	stream.strided.gather [hbm4b:s22+s30], $0xC00, s31, s30, $0x38;
	[tilespmem:$0x16280] =	vst v63  }
0xd9: {  	s22 =	sor.u32 $0x380, s15  }
0xda: {  	s26 =	sor.u32 s8, s24;
	s25 =	smul.u32 $0x300, s22  }
0xdb: {  	s24 =	sshrl.u32 s26, $0x3  }
0xdc: {  	s28 =	simm.s32 $0xEA00;
	s24 =	sadd.s32 s4, s24;
	s25 =	sor.u32 s8, s25  }
0xdd: {  	[tilespmem:s28], [sflag:$0x1] =	stream.strided.gather [hbm4b:s24+s30], $0xC00, s31, s30, $0x38;
	[tilespmem:$0x16280] =	vst v63  }
0xde: {  	s24 =	sshrl.u32 s25, $0x3  }
0xdf: {  	s26 =	simm.s32 $0xF600;
	s24 =	sadd.s32 s4, s24  }
0xe0: {  	[tilespmem:s26], [sflag:$0x1] =	stream.strided.gather [hbm4b:s24+s30], $0xC00, s31, s30, $0x38;
	[tilespmem:$0x16280] =	vst v63  }
0xe1: {  	_ =	swait.ge [sflag:s2], $0x900  }
0xe2: {  	[sflag:s2] =	ssyncset.done $0x0  }
0xe3: {  	[sflag:s2] =	ssyncadd.s32 $0xFFFFF700  }
0xe4: {  	_ =	swait.ge [sflag:s2], $0x900  }
0xe5: {  	[sflag:s2] =	ssyncset.done $0x0  }
0xe6: {  	[sflag:s2] =	ssyncadd.s32 $0xFFFFF700  }
0xe7: {  	_ =	swait.ge [sflag:s2], $0x900  }
0xe8: {  	[sflag:s2] =	ssyncset.done $0x0  }
0xe9: {  	[sflag:s2] =	ssyncadd.s32 $0xFFFFF700  }
0xea: {  	_ =	swait.ge [sflag:s2], $0x900  }
0xeb: {  	[sflag:s2] =	ssyncset.done $0x0  }
0xec: {  	[sflag:s2] =	ssyncadd.s32 $0xFFFFF700  }
0xed: {  	_ =	swait.ge [sflag:s2], $0x900  }
0xee: {  	[sflag:s2] =	ssyncset.done $0x0  }
0xef: {  	[sflag:s2] =	ssyncadd.s32 $0xFFFFF700  }
0xf0: {  	_ =	swait.ge [sflag:s2], $0x900  }
0xf1: {  	[sflag:s2] =	ssyncset.done $0x0  }
0xf2: {  	[sflag:s2] =	ssyncadd.s32 $0xFFFFF700  }
0xf3: {  	_ =	swait.ge [sflag:s2], $0x900  }
0xf4: {  	[sflag:s2] =	ssyncset.done $0x0  }
0xf5: {  	[sflag:s2] =	ssyncadd.s32 $0xFFFFF700  }
0xf6: {  	_ =	swait.ge [sflag:s2], $0x900  }
0xf7: {  	[sflag:s2] =	ssyncset.done $0x0  }
0xf8: {  	[sflag:s2] =	ssyncadd.s32 $0xFFFFF700  }
0xf9: {  	_ =	swait.ge [sflag:s2], $0x900  }
0xfa: {  	[sflag:s2] =	ssyncset.done $0x0  }
0xfb: {  	[sflag:s2] =	ssyncadd.s32 $0xFFFFF700  }
0xfc: {  	_ =	swait.ge [sflag:s2], $0x900  }
0xfd: {  	[sflag:s2] =	ssyncset.done $0x0  }
0xfe: {  	[sflag:s2] =	ssyncadd.s32 $0xFFFFF700  }
0xff: {  	_ =	swait.ge [sflag:s2], $0x900  }
0x100: {  	[sflag:s2] =	ssyncset.done $0x0  }
0x101: {  	[sflag:s2] =	ssyncadd.s32 $0xFFFFF700  }
0x102: {  	_ =	swait.ge [sflag:s2], $0x900  }
0x103: {  	[sflag:s2] =	ssyncset.done $0x0  }
0x104: {  	[sflag:s2] =	ssyncadd.s32 $0xFFFFF700  }
0x105: {  	_ =	swait.ge [sflag:s2], $0x900  }
0x106: {  	[sflag:s2] =	ssyncset.done $0x0  }
0x107: {  	[sflag:s2] =	ssyncadd.s32 $0xFFFFF700  }
0x108: {  	_ =	swait.ge [sflag:s2], $0x900  }
0x109: {  	[sflag:s2] =	ssyncset.done $0x0  }
0x10a: {  	[sflag:s2] =	ssyncadd.s32 $0xFFFFF700  }
0x10b: {  	_ =	swait.ge [sflag:s2], $0x900  }
0x10c: {  	[sflag:s2] =	ssyncset.done $0x0  }
0x10d: {  	[sflag:s2] =	ssyncadd.s32 $0xFFFFF700  }
0x10e: {  	_ =	swait.ge [sflag:s2], $0x900  }
0x10f: {  	[sflag:s2] =	ssyncset.done $0x0  }
0x110: {  	[sflag:s2] =	ssyncadd.s32 $0xFFFFF700  }
0x111: {  	_ =	swait.ge [sflag:s2], $0x900  }
0x112: {  	[sflag:s2] =	ssyncset.done $0x0  }
0x113: {  	[sflag:s2] =	ssyncadd.s32 $0xFFFFF700  }
0x114: {  	_ =	swait.ge [sflag:s2], $0x900  }
0x115: {  	[sflag:s2] =	ssyncset.done $0x0  }
0x116: {  	[sflag:s2] =	ssyncadd.s32 $0xFFFFF700  }
0x117: {  	_ =	swait.ge [sflag:s2], $0xC00  }
0x118: {  	[sflag:s2] =	ssyncset.done $0x0  }
0x119: {  	[sflag:s2] =	ssyncadd.s32 $0xFFFFF400  }
0x11a: {  	_ =	swait.ge [sflag:s2], $0xC00  }
0x11b: {  	[sflag:s2] =	ssyncset.done $0x0  }
0x11c: {  	[sflag:s2] =	ssyncadd.s32 $0xFFFFF400  }
0x11d: {  	_ =	swait.ge [sflag:s2], $0xC00  }
0x11e: {  	[sflag:s2] =	ssyncset.done $0x0  }
0x11f: {  	[sflag:s2] =	ssyncadd.s32 $0xFFFFF400  }
0x120: {  	_ =	swait.ge [sflag:s2], $0xC00  }
0x121: {  	[sflag:s2] =	ssyncset.done $0x0  }
0x122: {  	[sflag:s2] =	ssyncadd.s32 $0xFFFFF400  }
0x123: {  	_ =	swait.ge [sflag:s2], $0xC00  }
0x124: {  	[sflag:s2] =	ssyncset.done $0x0  }
0x125: {  	[sflag:s2] =	ssyncadd.s32 $0xFFFFF400  }
0x126: {  	_ =	swait.ge [sflag:s2], $0xC00  }
0x127: {  	[sflag:s2] =	ssyncset.done $0x0  }
0x128: {  	[sflag:s2] =	ssyncadd.s32 $0xFFFFF400  }
0x129: {  	_ =	swait.ge [sflag:s2], $0xC00  }
.Ltmp4:
0x12a: {  	p0 =	sgt.s32 s23, $0x0;
	[sflag:s2] =	ssyncset.done $0x0;
	(pc) =	sbr.rel .LBB2_3-.Ltmp4, $4  }
0x12b: {  	p1 =	slt.s32 s23, $0x6E;
	s28 =	scvt.s32.f32 s23;
	[sflag:s2] =	ssyncadd.s32 $0xFFFFF400  }
0x12c: {  	s25 =	simm.f32 $0.0e+00;
	s23 =	simm.f32 $1.700000000e+01;
	_ =	swait.ge [sflag:s2], $0xC00  }
0x12d: {  	s25 =	simm.s32 @!p0 $0xFF800000;
	s23 =	simm.s32 @!p1 $0x7F800000;
	[sflag:s2] =	ssyncset.done $0x0  }
0x12e: {  	v15 =	vmov s28;
	v16 =	vmov s25;
	v17 =	vmov s23;
	s23 =	simm.s32 $0x0;
	[sflag:s2] =	ssyncadd.s32 $0xFFFFF400  }
.LBB2_5:
0x12f: {  	s23 =	sadd.s32 $0x1, s23  }
0x130: {  	p0 =	sne.s32 s23, $0x200  }
.Ltmp5:
0x131: {  	_ = 	snop;
	(pc) =	sbr.rel @!p0 .LBB2_6-.Ltmp5, $2  }
0x132: {  	_ =	sdelay $0x2  }
0x133: {  	s14 =	sadd.s32 $0x10, s14  }
.LBB2_3:
0x134: {  	s24 =	sshrl.u32 s23, $0x3  }
0x135: {  	s25 =	sshrl.u32 s23, $0x6;
	s26 =	sand.u32 $0x7, s24  }
0x136: {  	s5 =	sshll.u32 s25, $0xA;
	s28 =	sshll.u32 s26, $0x7  }
0x137: {  	s4 =	sand.u32 $0x70, s14;
	s24 =	sor.u32 s5, s28  }
0x138: {  	s24 =	sor.u32 s4, s24  }
0x139: {  	s28 =	smul.u32 $0x3, s24;
	_ =	sdelay $0x1  }
0x13a: {  	v18 =	vadd.s32 s28, v5;
	_ =	sdelay $0x2  }
0x13b: {  	s5 =	sor.u32 $0x1, s28  }
0x13c: {  	v19 =	vadd.s32 s5, v5  }
0x13d: {  	v18 =	vld.idx.msk [tilespmem:v18+s29+$0x0], $0xffff  }
0x13e: {  	s28 =	sor.u32 $0x2, s28  }
0x13f: {  	s25 =	sor.u32 s7, s25;
	v20 =	vadd.s32 s28, v5  }
0x140: {  	s25 =	scvt.s32.f32 s25  }
0x141: {  	v19 =	vld.idx.msk [tilespmem:v19+s29+$0x0], $0xffff  }
0x142: {  	v26 =	vadd.f32 s25, v18  }
0x143: {  	s26 =	sor.u32 s13, s26  }
0x144: {  	s5 =	scvt.s32.f32 s26;
	v20 =	vld.idx.msk [tilespmem:v20+s29+$0x0], $0xffff;
	v18 =	vtrunc.f32 v26  }
0x145: {  	v18 =	vcvt.f32.s32 v18  }
0x146: {  	v23 =	vadd.f32 s5, v19  }
0x147: {  	v22 =	vcvt.s32.f32 v18  }
0x148: {  	v18 =	vtrunc.f32 v23  }
0x149: {  	s4 =	scvt.s32.f32 s4;
	v20 =	vadd.f32 v6, v20;
	v18 =	vcvt.f32.s32 v18;
	v19 =	vsub.f32 v22, v0;
	_ =	sdelay $0x1  }
0x14a: {  	v24 =	vcvt.s32.f32 v18;
	v18 =	vadd.f32 s4, v20;
	v25 =	vmax.f32 v19, $0.0e+00  }
0x14b: {  	v21 =	vadd.f32 $1.000000000e+00, v19;
	vm0 =	vlt.f32 v19, v1;
	v20 =	vmin.f32 v25, $1.700000000e+01  }
0x14c: {  	v27 =	vsub.f32 v24, v15;
	v28 =	vtrunc.f32 v18;
	v20 =	vtrunc.f32 v20  }
0x14d: {  	v25 =	vmax.f32 v21, $0.0e+00;
	v28 =	vcvt.f32.s32 v28;
	vm1 =	vgt.f32 v21, v2  }
0x14e: {  	v20 =	vcvt.f32.s32 v20;
	v25 =	vmin.f32 v25, $1.700000000e+01;
	v29 =	vadd.f32 $1.000000000e+00, v27  }
0x14f: {  	v19 =	vmax.f32 v27, $0.0e+00;
	vm0 =	vmor vm0, vm1;
	vm15 =	vlt.f32 v27, v16  }
0x150: {  	v25 =	vtrunc.f32 v25;
	v28 =	vcvt.s32.f32 v28;
	v19 =	vmin.f32 v19, $1.700000000e+01  }
0x151: {  	v25 =	vcvt.f32.s32 v25;
	v21 =	vmax.f32 v29, $0.0e+00;
	v19 =	vtrunc.f32 v19  }
0x152: {  	vm2 =	vgt.f32 v29, v17;
	v21 =	vmin.f32 v21, $1.700000000e+01;
	v30 =	vadd.f32 $1.000000000e+00, v28  }
0x153: {  	v19 =	vcvt.f32.s32 v19;
	vm1 =	vmor vm15, vm2;
	v21 =	vtrunc.f32 v21  }
0x154: {  	v25 =	vmul.u32 $0x900, v25;
	v31 =	vcvt.f32.s32 v21;
	v21 =	vmax.f32 v28, $0.0e+00  }
0x155: {  	vm0 =	vmor vm0, vm1;
	v27 =	vmax.f32 v30, $0.0e+00;
	v21 =	vmin.f32 v21, $1.270000000e+02  }
0x156: {  	v28 =	vmul.u32 $0x900, v20;
	v19 =	vshll.u32 v19, $0x7;
	v21 =	vtrunc.f32 v21  }
0x157: {  	v33 =	vsel vm0, $0x3F800000, v7;
	v27 =	vmin.f32 v27, $1.270000000e+02;
	v20 =	vcvt.f32.s32 v21  }
0x158: {  	v29 =	vshll.u32 v31, $0x7;
	v21 =	vtrunc.f32 v27;
	v27 =	vadd.s32 v28, v19  }
0x159: {  	v28 =	vadd.s32 v28, v29;
	v21 =	vcvt.f32.s32 v21;
	v31 =	vadd.s32 v20, v27  }
0x15a: {  	(xrf0) =	vmax.scan.msk.f32 $0xffff, v33;
	v32 =	vadd.s32 v20, v28  }
0x15b: {  	v19 =	vadd.s32 v19, v25;
	v28 =	vadd.s32 v21, v28  }
0x15c: {  	v25 =	vadd.s32 v25, v29;
	v34 =	vadd.s32 v20, v19  }
0x15d: {  	v58 =	vadd.s32 v20, v25  }
0x15e: {  	v27 =	vadd.s32 v21, v27;
	v29 =	vld.idx.msk [tilespmem:v31+s6+$0x0], $0xffff  }
0x15f: {  	v18 =	vsub.f32 v30, v18;
	v25 =	vadd.s32 v21, v25;
	v30 =	vld.idx.msk [tilespmem:v32+s6+$0x0], $0xffff  }
0x160: {  	v31 =	vadd.s32 v21, v19;
	v59 =	vld.idx.msk [tilespmem:v28+s6+$0x0], $0xffff;
	v28, _, _ =	vpop (xrf0)  }
0x161: {  	v34 =	vld.idx.msk [tilespmem:v34+s6+$0x0], $0xffff;
	(v2sf) =	vpush v28, $0xF  }
0x162: {  	v33 =	vld.idx.msk [tilespmem:v58+s6+$0x0], $0xffff  }
0x163: {  	v27 =	vld.idx.msk [tilespmem:v27+s6+$0x0], $0xffff  }
0x164: {  	v25 =	vld.idx.msk [tilespmem:v25+s6+$0x0], $0xffff  }
0x165: {  	v18 =	vmin.f32 v18, $1.000000000e+00;
	v28 =	vadd.f32 $1.000000000e+00, v24;
	v31 =	vld.idx.msk [tilespmem:v31+s6+$0x0], $0xffff  }
0x166: {  	v19 =	vsub.f32 $1.000000000e+00, v18;
	v29 =	vmul.f32 v18, v29  }
0x167: {  	v23 =	vsub.f32 v28, v23;
	v30 =	vmul.f32 v18, v30;
	v60 =	vmul.f32 v18, v34  }
0x168: {  	v33 =	vmul.f32 v18, v33;
	v27 =	vmul.f32 v19, v27  }
0x169: {  	v32 =	vmul.f32 v19, v59;
	v23 =	vmin.f32 v23, $1.000000000e+00;
	v61 =	vmul.f32 v19, v25  }
0x16a: {  	v25 =	vsub.f32 $1.000000000e+00, v23;
	v27 =	vadd.f32 v27, v29;
	v31 =	vmul.f32 v19, v31  }
0x16b: {  	v30 =	vadd.f32 v32, v30;
	v29 =	vadd.f32 $1.000000000e+00, v22  }
0x16c: {  	v62 =	vadd.f32 v61, v33;
	v31 =	vadd.f32 v31, v60  }
0x16d: {  	v26 =	vsub.f32 v29, v26;
	v63 =	vmul.f32 v27, v23;
	v30 =	vmul.f32 v30, v25  }
0x16e: {  	v32 =	vmul.f32 v62, v25;
	v31 =	vmul.f32 v31, v23  }
0x16f: {  	v26 =	vmin.f32 v26, $1.000000000e+00;
	v30 =	vadd.f32 v30, v63  }
0x170: {  	v27 =	vsub.f32 $1.000000000e+00, v26;
	v31 =	vadd.f32 v32, v31;
	s28 =	spop (v2sf)  }
0x171: {  	p0 =	sgt.f32 s28, $0.0e+00  }
.Ltmp6:
0x172: {  	v30 =	vmul.f32 v30, v26;
	v31 =	vmul.f32 v31, v27;
	(pc) =	sbr.rel @!p0 .LBB2_5-.Ltmp6, $3  }
0x173: {  	_ = 	snop  }
0x174: {  	v30 =	vadd.f32 v31, v30;
	_ =	sdelay $0x1  }
0x175: {  	[tilespmem:s24+$0x10200] =	vst v30  }
0x176: {  	v22 =	vmax.f32 v22, $0.0e+00;
	v24 =	vmax.f32 v24, $0.0e+00  }
0x177: {  	v29 =	vmax.f32 v29, $0.0e+00;
	v22 =	vmin.f32 v22, $1.270000000e+02;
	v24 =	vmin.f32 v24, $1.270000000e+02  }
0x178: {  	v28 =	vmax.f32 v28, $0.0e+00;
	v22 =	vtrunc.f32 v22;
	v24 =	vtrunc.f32 v24  }
0x179: {  	v28 =	vmin.f32 v28, $1.270000000e+02;
	v22 =	vcvt.f32.s32 v22;
	v24 =	vcvt.f32.s32 v24  }
0x17a: {  	v30 =	vadd.s32 v20, v3;
	v29 =	vmin.f32 v29, $1.270000000e+02;
	v28 =	vtrunc.f32 v28  }
0x17b: {  	v28 =	vcvt.f32.s32 v28;
	v22 =	vshll.u32 v22, $0xE;
	v24 =	vshll.u32 v24, $0x7  }
0x17c: {  	v32 =	vadd.s32 v21, v3;
	v29 =	vtrunc.f32 v29;
	v31 =	vadd.s32 v22, v24  }
0x17d: {  	v29 =	vcvt.f32.s32 v29;
	v28 =	vshll.u32 v28, $0x7;
	v33 =	vadd.s32 v31, v30  }
0x17e: {  	v22 =	vadd.s32 v22, v28;
	v31 =	vadd.s32 v31, v32;
	v33 =	vshra.s32 v33, $0x7  }
0x17f: {  	v29 =	vshll.u32 v29, $0xE;
	v34 =	vadd.s32 v30, v22;
	v31 =	vshra.s32 v31, $0x7;
	[tilespmem:$0x12200] =	vst v33  }
0x180: {  	v24 =	vadd.s32 v24, v29;
	v22 =	vadd.s32 v22, v32;
	v44 =	vshra.s32 v34, $0x7;
	[tilespmem:$0x12210] =	vst v31  }
0x181: {  	v45 =	vadd.s32 v24, v30;
	v22 =	vshra.s32 v22, $0x7;
	[tilespmem:$0x12220] =	vst v44  }
0x182: {  	v28 =	vadd.s32 v29, v28;
	v24 =	vadd.s32 v24, v32;
	v46 =	vshra.s32 v45, $0x7;
	[tilespmem:$0x12230] =	vst v22  }
0x183: {  	v29 =	vadd.s32 v30, v28;
	v47 =	vshra.s32 v24, $0x7;
	[tilespmem:$0x12240] =	vst v46  }
0x184: {  	v48 =	vadd.s32 v28, v32;
	v49 =	vshra.s32 v29, $0x7;
	[tilespmem:$0x12250] =	vst v47  }
0x185: {  	v50 =	vand.u32 $0x7F, v20;
	v51 =	vshra.s32 v48, $0x7;
	[tilespmem:$0x12260] =	vst v49  }
0x186: {  	v52 =	vand.u32 $0x7F, v21;
	v53 =	vor.u32 v4, v50;
	[tilespmem:$0x12270] =	vst v51  }
0x187: {  	v54 =	vor.u32 v8, v52;
	[tilespmem:s9], [sflag:$0x3] =	stream.indirect.gather [hbm4b:s3+s30], $0x80, s0, s30, $0xb8;
	[tilespmem:$0x16280] =	vst v63  }
0x188: {  	v55 =	vor.u32 v9, v50;
	_ =	swait.ge [sflag:s10], $0x4000  }
0x189: {  	v56 =	vor.u32 v10, v52;
	[sflag:s10] =	ssyncset.done $0x0  }
0x18a: {  	v57 =	vor.u32 v11, v50;
	[sflag:s10] =	ssyncadd.s32 $0xFFFFC000  }
0x18b: {  	v58 =	vor.u32 v12, v52;
	v22 =	vld.idx.msk [tilespmem:v53+s9+$0x0], $0xffff  }
0x18c: {  	v20 =	vor.u32 v13, v50;
	v24 =	vld.idx.msk [tilespmem:v54+s9+$0x0], $0xffff  }
0x18d: {  	v21 =	vor.u32 v14, v52;
	v28 =	vld.idx.msk [tilespmem:v55+s9+$0x0], $0xffff  }
0x18e: {  	v29 =	vld.idx.msk [tilespmem:v56+s9+$0x0], $0xffff  }
0x18f: {  	v30 =	vld.idx.msk [tilespmem:v57+s9+$0x0], $0xffff  }
0x190: {  	v31 =	vld.idx.msk [tilespmem:v58+s9+$0x0], $0xffff  }
0x191: {  	v20 =	vld.idx.msk [tilespmem:v20+s9+$0x0], $0xffff  }
0x192: {  	v21 =	vld.idx.msk [tilespmem:v21+s9+$0x0], $0xffff;
	_ =	sdelay $0x1  }
0x193: {  	v22 =	vmul.f32 v22, v18;
	v24 =	vmul.f32 v24, v19  }
0x194: {  	v28 =	vmul.f32 v28, v18;
	v29 =	vmul.f32 v29, v19  }
0x195: {  	v30 =	vmul.f32 v30, v18;
	v31 =	vmul.f32 v31, v19  }
0x196: {  	v18 =	vmul.f32 v20, v18;
	v19 =	vmul.f32 v21, v19  }
0x197: {  	v59 =	vadd.f32 v24, v22;
	v60 =	vadd.f32 v29, v28  }
0x198: {  	v61 =	vadd.f32 v31, v30;
	v18 =	vadd.f32 v19, v18  }
0x199: {  	v19 =	vmul.f32 v59, v23;
	v62 =	vmul.f32 v60, v25  }
0x19a: {  	v63 =	vmul.f32 v61, v23;
	v18 =	vmul.f32 v18, v25;
	_ =	sdelay $0x1  }
0x19b: {  	v19 =	vadd.f32 v62, v19;
	v18 =	vadd.f32 v18, v63;
	_ =	sdelay $0x1  }
.Ltmp7:
0x19c: {  	v19 =	vmul.f32 v19, v26;
	v18 =	vmul.f32 v18, v27;
	(pc) =	sbr.rel .LBB2_5-.Ltmp7, $3  }
0x19d: {  	_ = 	snop  }
0x19e: {  	v18 =	vadd.f32 v18, v19;
	_ =	sdelay $0x1  }
0x19f: {  	[tilespmem:s24+$0x10200] =	vst v18  }
.LBB2_8:
0x1a0: {  	_ =	sfence.sel $0x180000  }
0x1a1: {  	[bflag:$0x0] =	sbarrier.arrive $0xFFFF  }
0x1a2: {  	_ =	strace $0x90000047  }
0x1a3: {  	s0 =	stileid.u32;
	[bflag:$0x2] =	sbarrier.arrive $0xFFFF  }
0x1a4: {  	p0 =	sne.s32 s0, $0x0;
	s0 =	rddreg [dreg:$0x4]  }
0x1a5: {  	s0 =	sadd.s32 @!p0 $0x100000, s0  }
0x1a6: {  	[sflag:s0] =	ssyncadd.tile.s32 @!p0 $0x1;
	_ =	shalt  }
.Lfunc_end2:
_tile_overlayer_lowered:
.L_overlay_start_2:
0x1a7: {  	(tag) =	ssettag $0x2  }
0x1a8: {  	s0 =	rddreg [dreg:$0x0];
	s2 =	stileid.u32  }
0x1a9: {  	s1 =	rddreg [dreg:$0x1];
	p0 =	sne.s32 s2, $0x0  }
0x1aa: {  	s3 =	rddreg [dreg:$0x2];
	[bflag:$0x3] =	sbarrier.arrive $0xFFFF;
	s2 =	simm.s32 @!p0 $0x1C04  }
0x1ab: {  	[timem:s3], [sflag:s2] =	dma.local @!p0 [hbm:s0], s1  }
0x1ac: {  	s0 =	simm.s32 @!p0 $0x4  }
0x1ad: {  	_ =	swait.ge @!p0 [sflag:s0], s1  }
0x1ae: {  	s1 =	ssub.s32 @!p0 $0x0, s1;
	[sflag:s0] =	ssyncset.done @!p0 $0x0  }
0x1af: {  	[sflag:s0] =	ssyncadd.s32 @!p0 s1  }
0x1b0: {  	[bflag:$0x3] =	sbarrier.arrive $0xFFFF  }
0x1b1: {  	_ =	shalt  }

</sc_bundles>
